<compile_context>
chip_gen: v7x
topology: tpu7x:2x2x1
jax: 0.10.2.dev20260603
libtpu: 0.0.44.dev20260713+nightly
codegen_flags: <defaults>
</compile_context>

<pallas_src>
import functools

import jax
import jax.numpy as jnp
from jax.experimental import pallas as pl
from jax.experimental.pallas import tpu as pltpu
from jax.experimental.pallas import tpu_sc as plsc

B = 8
L = 2048
D = 128
WINDOW = 9
K_SYM = 5
PATCH_HIGH = 3
PATCH_LOW = 12
ENT_THR_ROBUST = 1.51
NCAND = (L + PATCH_HIGH - 1) // PATCH_HIGH
KP = 704
CSLEN = 2112


def _ent_body(x_ref, ent_ref, cs_ref):
    x = x_ref[...]
    z4 = jnp.zeros((B, WINDOW // 2), jnp.float32)
    counts = []
    for s in range(K_SYM):
        ind = jnp.concatenate(
            [z4, (x == s).astype(jnp.float32), z4], axis=1)
        c = ind[:, 4:4 + L]
        for w in range(WINDOW):
            if w != 4:
                c = c + ind[:, w:w + L]
        counts.append(c)
    total = counts[0] + counts[1] + counts[2] + counts[3] + counts[4]
    total = jnp.maximum(total, 1e-12)
    ent = jnp.zeros((B, L), jnp.float32)
    for s in range(K_SYM):
        p = counts[s] / total
        ent = ent - p * jnp.log2(p + 1e-12)
    ent_ref[...] = ent

    xf = x.astype(jnp.float32)
    inc = xf
    sh = 1
    while sh < L:
        z = jnp.zeros((B, sh), jnp.float32)
        inc = inc + jnp.concatenate([z, inc[:, :L - sh]], axis=1)
        sh *= 2
    zcol = jnp.zeros((B, 1), jnp.float32)
    ztail = jnp.zeros((B, CSLEN - L - 1), jnp.float32)
    cs_ref[...] = jnp.concatenate([zcol, inc, ztail], axis=1)


def _entropy_cs(x):
    return pl.pallas_call(
        _ent_body,
        out_shape=[
            jax.ShapeDtypeStruct((B, L), jnp.float32),
            jax.ShapeDtypeStruct((B, CSLEN), jnp.float32),
        ],
    )(x)


def _walk_patches(entropy, cs):
    mesh = plsc.VectorSubcoreMesh(core_axis_name="c", subcore_axis_name="s",
                                  num_cores=1)

    @functools.partial(
        pl.kernel,
        out_type=[
            jax.ShapeDtypeStruct((B, KP), jnp.float32),
            jax.ShapeDtypeStruct((B, 16), jnp.float32),
        ],
        mesh=mesh,
        scratch_types=[
            pltpu.VMEM((L + 64,), jnp.float32),
            pltpu.VMEM((CSLEN,), jnp.float32),
            pltpu.VMEM((KP,), jnp.float32),
            pltpu.VMEM((16,), jnp.float32),
            pltpu.SemaphoreType.DMA,
            pltpu.SemaphoreType.DMA,
        ],
    )
    def walk(ent_hbm, cs_hbm, pm_hbm, cnt_hbm, ent_v, cs_v, pm_v, cnt_v,
             sem_e, sem_c):
        wid = jax.lax.axis_index("s") + jax.lax.axis_index("c")
        row = jax.lax.rem(wid, B)
        cp_e = pltpu.async_copy(ent_hbm.at[row], ent_v.at[pl.ds(0, L)], sem_e)
        cp_c = pltpu.async_copy(cs_hbm.at[row], cs_v, sem_c)
        cp_e.wait()
        cp_c.wait()
        zero16 = jnp.zeros((16,), jnp.float32)
        ent_v[pl.ds(L, 16)] = zero16
        ent_v[pl.ds(L + 16, 16)] = zero16
        ent_v[pl.ds(L + 32, 16)] = zero16
        ent_v[pl.ds(L + 48, 16)] = zero16
        lane_i = jax.lax.iota(jnp.int32, 16)
        lane0_f = (1 - jnp.minimum(lane_i, 1)).astype(jnp.float32)
        d1 = lane_i - 1
        lane1_f = (1 - jnp.minimum(d1 * d1, 1)).astype(jnp.float32)

        def body(_, carry):
            i, t, last, e_cur, cs_cur = carry
            act_a = i < L
            act_af = jnp.where(act_a, 1.0, 0.0)
            hi_a = e_cur > ENT_THR_ROBUST
            eA3 = ent_v[pl.ds(i + 3, 16)][0]
            eA12 = ent_v[pl.ds(i + 12, 16)][0]
            cA3 = cs_v[pl.ds(i + 3, 16)][0]
            cA12 = cs_v[pl.ds(i + 12, 16)][0]
            eB6 = ent_v[pl.ds(i + 6, 16)][0]
            eB15 = ent_v[pl.ds(i + 15, 16)][0]
            eB24 = ent_v[pl.ds(i + 24, 16)][0]
            cB6 = cs_v[pl.ds(i + 6, 16)][0]
            cB15 = cs_v[pl.ds(i + 15, 16)][0]
            cB24 = cs_v[pl.ds(i + 24, 16)][0]
            csA = jnp.where(hi_a, cA3, cA12)
            rdenA = jnp.where(hi_a, 1.0 / PATCH_HIGH, 1.0 / PATCH_LOW)
            pmA = (csA - cs_cur) * rdenA
            iA = jnp.where(act_a, i + jnp.where(hi_a, PATCH_HIGH, PATCH_LOW),
                           i)
            lastA = jnp.where(act_a, i, last)
            eA = jnp.where(hi_a, eA3, eA12)
            tA = t + jnp.where(act_a, 1, 0)
            act_b = iA < L
            hi_b = eA > ENT_THR_ROBUST
            csB = jnp.where(hi_b, jnp.where(hi_a, cB6, cB15),
                            jnp.where(hi_a, cB15, cB24))
            eB = jnp.where(hi_b, jnp.where(hi_a, eB6, eB15),
                           jnp.where(hi_a, eB15, eB24))
            rdenB = jnp.where(hi_b, 1.0 / PATCH_HIGH, 1.0 / PATCH_LOW)
            pmB = (csB - csA) * rdenB
            iB = jnp.where(act_b,
                           iA + jnp.where(hi_b, PATCH_HIGH, PATCH_LOW), iA)
            lastB = jnp.where(act_b, iA, lastA)
            tB = tA + jnp.where(act_b, 1, 0)
            laneB_f = lane1_f * act_af + lane0_f * (1.0 - act_af)
            pm_v[pl.ds(t, 16)] = lane0_f * pmA + laneB_f * pmB
            return (iB, tB, lastB, eB, csB)

        e0 = ent_v[pl.ds(0, 16)][0]
        init = (jnp.int32(0), jnp.int32(0), jnp.int32(0), e0,
                jnp.float32(0.0))
        final = jax.lax.fori_loop(0, NCAND // 2 + 1, body, init, unroll=4)
        count = final[1]
        i_last = final[2]
        cs_total = cs_v[pl.ds(L, 16)][0]
        cs_il = cs_v[pl.ds(i_last, 16)][0]
        def lane(k):
            dk = lane_i - k
            return (1 - jnp.minimum(dk * dk, 1)).astype(jnp.float32)
        cnt_v[...] = (lane(0) * count.astype(jnp.float32)
                      + lane(1) * i_last.astype(jnp.float32)
                      + lane(2) * cs_total + lane(3) * cs_il)

        @pl.when(wid < B)
        def _():
            pltpu.sync_copy(pm_v, pm_hbm.at[wid])
            pltpu.sync_copy(cnt_v, cnt_hbm.at[wid])

    return walk(entropy, cs)


def _feat_body(pm_ref, cnt_ref, w1_ref, b1_ref, w2_ref, b2_ref, out_ref):
    pm = pm_ref[...]
    count = cnt_ref[:, 0:1]
    i_last = cnt_ref[:, 1:2]
    cs_total = cnt_ref[:, 2:3]
    cs_il = cnt_ref[:, 3:4]
    den_last = jnp.maximum(float(L) - i_last, 1.0)
    pm_last = (cs_total - cs_il) / den_last
    tt = jax.lax.broadcasted_iota(jnp.int32, (B, KP), 1).astype(jnp.float32)
    pm = jnp.where(tt == count - 1.0, pm_last, pm)
    msk = (tt < count).astype(jnp.float32)
    w1 = w1_ref[...]
    b1 = b1_ref[...]
    h = jnp.maximum(pm[:, :, None] * w1 + b1, 0.0) * msk[:, :, None]
    s_h = jnp.sum(h, axis=1)
    out = jax.lax.dot_general(
        s_h, w2_ref[...], (((1,), (0,)), ((), ())),
        preferred_element_type=jnp.float32,
    )
    out_ref[...] = out / count + b2_ref[...]


def _features(pm, cnt, W1, b1, W2, b2):
    return pl.pallas_call(
        _feat_body,
        out_shape=jax.ShapeDtypeStruct((B, D), jnp.float32),
    )(pm, cnt, W1, b1.reshape(1, D), W2, b2.reshape(1, D))


def kernel(x, W1, b1, W2, b2):
    entropy, cs = _entropy_cs(x)
    pm, cnt = _walk_patches(entropy, cs)
    blt = _features(pm, cnt, W1, b1, W2, b2)
    return (blt, entropy)

# --- scband reference (transcript-rebuilt; emitter-appended) ---
"""Pipeline reference for scband-entropy-patcher-4329327035038 (READ-ONLY COPY).

The authoritative reference and input builder live on the scoring server;
editing this copy changes nothing except your own understanding.
"""

import jax, jax.numpy as jnp
import numpy as np

WINDOW = 9
K_SYM = 5
PATCH_HIGH = 3
PATCH_LOW = 12
ENT_THR = 1.5
EMBED_DIM = 128


def _entropy_fast(x, window=WINDOW):
    b, L = x.shape
    xc = jnp.clip(x, 0, K_SYM - 1)
    one_hot = jax.nn.one_hot(xc, K_SYM, dtype=jnp.float32)  # [b, L, K]
    oh = jnp.transpose(one_hot, (0, 2, 1))  # [b, K, L]
    pad = window // 2
    padded = jnp.pad(oh, ((0, 0), (0, 0), (pad, pad)))
    counts = jnp.zeros_like(oh)
    for w in range(window):
        counts = counts + padded[:, :, w:w + L]
    total = jnp.clip(counts.sum(axis=1, keepdims=True), 1e-12, None)
    probs = counts / total
    entropy = -(probs * jnp.log2(probs + 1e-12)).sum(axis=1)  # [b, L]
    return entropy


def _patch_means(x_np, ent_np, ph=PATCH_HIGH, pl=PATCH_LOW, thr=ENT_THR):
    b, L = x_np.shape
    means = []
    for bi in range(b):
        i = 0
        m = []
        while i < L:
            psize = ph if float(ent_np[bi, i]) > thr else pl
            j = min(i + psize, L)
            m.append(float(np.mean(x_np[bi, i:j].astype(np.float32))))
            i = j
        means.append(np.asarray(m, dtype=np.float32).reshape(-1, 1))
    return means


def setup_inputs(seed: int = 0) -> dict:
    key = jax.random.key(seed)
    k1, k2, k3, k4, k5 = jax.random.split(key, 5)
    D = EMBED_DIM
    x = jax.random.randint(k1, (8, 2048), 0, 5)
    # torch nn.Linear init: U(-1/sqrt(fan_in), 1/sqrt(fan_in)); stored as [in, out] for right-multiply
    W1 = jax.random.uniform(k2, (1, D), minval=-1.0, maxval=1.0, dtype=jnp.float32)
    b1 = jax.random.uniform(k3, (D,), minval=-1.0, maxval=1.0, dtype=jnp.float32)
    s = 1.0 / np.sqrt(D)
    W2 = jax.random.uniform(k4, (D, D), minval=-s, maxval=s, dtype=jnp.float32)
    b2 = jax.random.uniform(k5, (D,), minval=-s, maxval=s, dtype=jnp.float32)
    return {"x": x, "W1": W1, "b1": b1, "W2": W2, "b2": b2}


def reference(x, W1, b1, W2, b2):
    entropy = _entropy_fast(x)
    b, L = x.shape
    maxp = (L + PATCH_HIGH - 1) // PATCH_HIGH
    cs = jnp.concatenate(
        [jnp.zeros((b, 1), dtype=x.dtype), jnp.cumsum(x, axis=1)], axis=1
    )  # [b, L+1], exact integer prefix sums

    def row_patches(cs_row, ent_row):
        def step(i, _):
            valid = i < L
            e = ent_row[jnp.clip(i, 0, L - 1)]
            psize = jnp.where(e > ENT_THR, PATCH_HIGH, PATCH_LOW)
            j = jnp.minimum(i + psize, L)
            num = (cs_row[j] - cs_row[i]).astype(jnp.float32)
            den = jnp.maximum(j - i, 1).astype(jnp.float32)
            pm = num / den
            i_next = jnp.where(valid, j, i)
            return i_next, (pm, valid)

        _, (pms, valids) = jax.lax.scan(
            step, jnp.asarray(0, dtype=jnp.int32), None, length=maxp
        )
        return pms, valids

    pms, valids = jax.vmap(row_patches)(cs, entropy)  # [b, maxp]
    h = jnp.maximum(pms[:, :, None] @ W1 + b1, 0.0)  # [b, maxp, D]
    v = h @ W2 + b2  # [b, maxp, D]
    vm = jnp.where(valids[:, :, None], v, 0.0)
    counts = valids.sum(axis=1).astype(jnp.float32)  # [b]
    blt_features = vm.sum(axis=1) / counts[:, None]  # [b, D]
    return (blt_features, entropy)

if __name__ == "__main__":
    import jax
    _d = setup_inputs()
    print(jax.jit(kernel)(*tuple(_d.values())))

</pallas_src>

<mosaic_0001>
#map = affine_map<(d0, d1) -> (0, 0)>
module attributes {stable_mosaic.version = 14 : i64} {
  func.func @walk(%arg0: i32, %arg1: i32, %arg2: memref<8x2048xf32, #tpu.memory_space<hbm>>, %arg3: memref<8x2112xf32, #tpu.memory_space<hbm>>, %arg4: memref<8x704xf32, #tpu.memory_space<hbm>>, %arg5: memref<8x16xf32, #tpu.memory_space<hbm>>, %arg6: memref<2112xf32, #tpu.memory_space<vmem>>, %arg7: memref<2112xf32, #tpu.memory_space<vmem>>, %arg8: memref<704xf32, #tpu.memory_space<vmem>>, %arg9: memref<16xf32, #tpu.memory_space<vmem>>, %arg10: memref<!tpu.dma_semaphore, #tpu.memory_space<semaphore_mem>>, %arg11: memref<!tpu.dma_semaphore, #tpu.memory_space<semaphore_mem>>) attributes {dimension_semantics = [#tpu.dimension_semantics<core_parallel>, #tpu.dimension_semantics<subcore_parallel>], iteration_bounds = array<i64: 1, 16>, scalar_prefetch = 0 : i64, scratch_operands = 6 : i64, tpu.core_type = #tpu.core_type<sc_vector_subcore>, window_params = [{transform_indices = #map}, {transform_indices = #map}, {transform_indices = #map}, {transform_indices = #map}]} {
    %add3A = arith.addi %arg1, %arg0 : i32
    %rem3A = arith.constant 8 : i32
    %rem3A_0 = arith.remsi %add3A, %rem3A : i32
    %dma_start3A = arith.constant 0 : i32
    %dma_start3A_1 = tpu.memref_slice %arg6[%dma_start3A] : memref<2112xf32, #tpu.memory_space<vmem>> -> memref<2048xf32, #tpu.memory_space<vmem>>
    %dma_start3A_2 = arith.constant 0 : i32
    %dma_start3A_3 = tpu.memref_slice %arg2[%rem3A_0, %dma_start3A_2] : memref<8x2048xf32, #tpu.memory_space<hbm>> -> memref<1x2048xf32, #tpu.memory_space<hbm>>
    %dma_start3A_4 = tpu.memref_squeeze %dma_start3A_3 : memref<1x2048xf32, #tpu.memory_space<hbm>> -> memref<2048xf32, #tpu.memory_space<hbm>>
    %dma_start3A_5 = arith.constant 0 : i32
    %dma_start3A_6 = tpu.memref_slice %arg6[%dma_start3A_5] : memref<2112xf32, #tpu.memory_space<vmem>> -> memref<2048xf32, #tpu.memory_space<vmem>>
    %dma_start3A_7 = arith.constant 0 : i32
    %dma_start3A_8 = tpu.memref_slice %arg2[%rem3A_0, %dma_start3A_7] : memref<8x2048xf32, #tpu.memory_space<hbm>> -> memref<1x2048xf32, #tpu.memory_space<hbm>>
    %dma_start3A_9 = tpu.memref_squeeze %dma_start3A_8 : memref<1x2048xf32, #tpu.memory_space<hbm>> -> memref<2048xf32, #tpu.memory_space<hbm>>
    tpu.enqueue_dma source(%dma_start3A_9 : memref<2048xf32, #tpu.memory_space<hbm>>) target(%dma_start3A_6 : memref<2048xf32, #tpu.memory_space<vmem>>) target_semaphore(%arg10 : memref<!tpu.dma_semaphore, #tpu.memory_space<semaphore_mem>>)
    %dma_start3A_10 = arith.constant 0 : i32
    %dma_start3A_11 = tpu.memref_slice %arg3[%rem3A_0, %dma_start3A_10] : memref<8x2112xf32, #tpu.memory_space<hbm>> -> memref<1x2112xf32, #tpu.memory_space<hbm>>
    %dma_start3A_12 = tpu.memref_squeeze %dma_start3A_11 : memref<1x2112xf32, #tpu.memory_space<hbm>> -> memref<2112xf32, #tpu.memory_space<hbm>>
    %dma_start3A_13 = arith.constant 0 : i32
    %dma_start3A_14 = tpu.memref_slice %arg3[%rem3A_0, %dma_start3A_13] : memref<8x2112xf32, #tpu.memory_space<hbm>> -> memref<1x2112xf32, #tpu.memory_space<hbm>>
    %dma_start3A_15 = tpu.memref_squeeze %dma_start3A_14 : memref<1x2112xf32, #tpu.memory_space<hbm>> -> memref<2112xf32, #tpu.memory_space<hbm>>
    tpu.enqueue_dma source(%dma_start3A_15 : memref<2112xf32, #tpu.memory_space<hbm>>) target(%arg7 : memref<2112xf32, #tpu.memory_space<vmem>>) target_semaphore(%arg11 : memref<!tpu.dma_semaphore, #tpu.memory_space<semaphore_mem>>)
    %dma_wait3A = arith.constant 0 : i32
    %dma_wait3A_16 = tpu.memref_slice %arg6[%dma_wait3A] : memref<2112xf32, #tpu.memory_space<vmem>> -> memref<2048xf32, #tpu.memory_space<vmem>>
    %dma_wait3A_17 = arith.constant 0 : i32
    %dma_wait3A_18 = tpu.memref_slice %arg2[%rem3A_0, %dma_wait3A_17] : memref<8x2048xf32, #tpu.memory_space<hbm>> -> memref<1x2048xf32, #tpu.memory_space<hbm>>
    %dma_wait3A_19 = tpu.memref_squeeze %dma_wait3A_18 : memref<1x2048xf32, #tpu.memory_space<hbm>> -> memref<2048xf32, #tpu.memory_space<hbm>>
    %dma_wait3A_20 = arith.constant 0 : i32
    %dma_wait3A_21 = tpu.memref_slice %arg6[%dma_wait3A_20] : memref<2112xf32, #tpu.memory_space<vmem>> -> memref<2048xf32, #tpu.memory_space<vmem>>
    %dma_wait3A_22 = arith.constant 0 : i32
    %dma_wait3A_23 = tpu.memref_slice %arg2[%rem3A_0, %dma_wait3A_22] : memref<8x2048xf32, #tpu.memory_space<hbm>> -> memref<1x2048xf32, #tpu.memory_space<hbm>>
    %dma_wait3A_24 = tpu.memref_squeeze %dma_wait3A_23 : memref<1x2048xf32, #tpu.memory_space<hbm>> -> memref<2048xf32, #tpu.memory_space<hbm>>
    tpu.wait_dma2 semaphore(%arg10 : memref<!tpu.dma_semaphore, #tpu.memory_space<semaphore_mem>>) src(%dma_wait3A_24 : memref<2048xf32, #tpu.memory_space<hbm>>) dst(%dma_wait3A_21 : memref<2048xf32, #tpu.memory_space<vmem>>)
    %dma_wait3A_25 = arith.constant 0 : i32
    %dma_wait3A_26 = tpu.memref_slice %arg3[%rem3A_0, %dma_wait3A_25] : memref<8x2112xf32, #tpu.memory_space<hbm>> -> memref<1x2112xf32, #tpu.memory_space<hbm>>
    %dma_wait3A_27 = tpu.memref_squeeze %dma_wait3A_26 : memref<1x2112xf32, #tpu.memory_space<hbm>> -> memref<2112xf32, #tpu.memory_space<hbm>>
    %dma_wait3A_28 = arith.constant 0 : i32
    %dma_wait3A_29 = tpu.memref_slice %arg3[%rem3A_0, %dma_wait3A_28] : memref<8x2112xf32, #tpu.memory_space<hbm>> -> memref<1x2112xf32, #tpu.memory_space<hbm>>
    %dma_wait3A_30 = tpu.memref_squeeze %dma_wait3A_29 : memref<1x2112xf32, #tpu.memory_space<hbm>> -> memref<2112xf32, #tpu.memory_space<hbm>>
    tpu.wait_dma2 semaphore(%arg11 : memref<!tpu.dma_semaphore, #tpu.memory_space<semaphore_mem>>) src(%dma_wait3A_30 : memref<2112xf32, #tpu.memory_space<hbm>>) dst(%arg7 : memref<2112xf32, #tpu.memory_space<vmem>>)
    %broadcast_in_dim3A = arith.constant 0.000000e+00 : f32
    %broadcast_in_dim3A_31 = vector.broadcast %broadcast_in_dim3A : f32 to vector<16xf32>
    %swap3A = arith.constant 2048 : index
    %swap3A_32 = tpu.vector_load %arg6[%swap3A] {strides = array<i32>} : memref<2112xf32, #tpu.memory_space<vmem>>, vector<16xf32>,
    %swap3A_33 = vector.shape_cast %swap3A_32 : vector<16xf32> to vector<16xf32>
    %swap3A_34 = vector.shape_cast %broadcast_in_dim3A_31 : vector<16xf32> to vector<16xf32>
    tpu.vector_store %arg6[%swap3A], %swap3A_34 {strides = array<i32>} : memref<2112xf32, #tpu.memory_space<vmem>>, vector<16xf32>,
    %swap3A_35 = arith.constant 2064 : index
    %swap3A_36 = tpu.vector_load %arg6[%swap3A_35] {strides = array<i32>} : memref<2112xf32, #tpu.memory_space<vmem>>, vector<16xf32>,
    %swap3A_37 = vector.shape_cast %swap3A_36 : vector<16xf32> to vector<16xf32>
    %swap3A_38 = vector.shape_cast %broadcast_in_dim3A_31 : vector<16xf32> to vector<16xf32>
    tpu.vector_store %arg6[%swap3A_35], %swap3A_38 {strides = array<i32>} : memref<2112xf32, #tpu.memory_space<vmem>>, vector<16xf32>,
    %swap3A_39 = arith.constant 2080 : index
    %swap3A_40 = tpu.vector_load %arg6[%swap3A_39] {strides = array<i32>} : memref<2112xf32, #tpu.memory_space<vmem>>, vector<16xf32>,
    %swap3A_41 = vector.shape_cast %swap3A_40 : vector<16xf32> to vector<16xf32>
    %swap3A_42 = vector.shape_cast %broadcast_in_dim3A_31 : vector<16xf32> to vector<16xf32>
    tpu.vector_store %arg6[%swap3A_39], %swap3A_42 {strides = array<i32>} : memref<2112xf32, #tpu.memory_space<vmem>>, vector<16xf32>,
    %swap3A_43 = arith.constant 2096 : index
    %swap3A_44 = tpu.vector_load %arg6[%swap3A_43] {strides = array<i32>} : memref<2112xf32, #tpu.memory_space<vmem>>, vector<16xf32>,
    %swap3A_45 = vector.shape_cast %swap3A_44 : vector<16xf32> to vector<16xf32>
    %swap3A_46 = vector.shape_cast %broadcast_in_dim3A_31 : vector<16xf32> to vector<16xf32>
    tpu.vector_store %arg6[%swap3A_43], %swap3A_46 {strides = array<i32>} : memref<2112xf32, #tpu.memory_space<vmem>>, vector<16xf32>,
    %iota3A = tpu.iota {dimensions = array<i32: 0>} : vector<16xi32>
    %min3A = arith.constant 1 : i32
    %min3A_47 = vector.broadcast %min3A : i32 to vector<16xi32>
    %min3A_48 = arith.minsi %iota3A, %min3A_47 : vector<16xi32>
    %sub3A = arith.constant 1 : i32
    %sub3A_49 = vector.broadcast %sub3A : i32 to vector<16xi32>
    %sub3A_50 = arith.subi %sub3A_49, %min3A_48 : vector<16xi32>
    %convert_element_type3A = arith.sitofp %sub3A_50 : vector<16xi32> to vector<16xf32>
    %sub3A_51 = arith.constant 1 : i32
    %sub3A_52 = vector.broadcast %sub3A_51 : i32 to vector<16xi32>
    %sub3A_53 = arith.subi %iota3A, %sub3A_52 : vector<16xi32>
    %mul3A = arith.muli %sub3A_53, %sub3A_53 : vector<16xi32>
    %min3A_54 = arith.constant 1 : i32
    %min3A_55 = vector.broadcast %min3A_54 : i32 to vector<16xi32>
    %min3A_56 = arith.minsi %mul3A, %min3A_55 : vector<16xi32>
    %sub3A_57 = arith.constant 1 : i32
    %sub3A_58 = vector.broadcast %sub3A_57 : i32 to vector<16xi32>
    %sub3A_59 = arith.subi %sub3A_58, %min3A_56 : vector<16xi32>
    %convert_element_type3A_60 = arith.sitofp %sub3A_59 : vector<16xi32> to vector<16xf32>
    %get3A = arith.constant 0 : index
    %get3A_61 = tpu.vector_load %arg6[%get3A] {strides = array<i32>} : memref<2112xf32, #tpu.memory_space<vmem>>, vector<16xf32>,
    %get3A_62 = vector.shape_cast %get3A_61 : vector<16xf32> to vector<16xf32>
    %slice3A = vector.extract_strided_slice %get3A_62 {offsets = [0], sizes = [1], strides = [1]} : vector<16xf32> to vector<1xf32>
    %squeeze3A = vector.extract %slice3A[0] : f32 from vector<1xf32>
    %scan3A = arith.constant 0 : i32
    %scan3A_63 = arith.constant 0 : i32
    %scan3A_64 = arith.constant 0 : i32
    %scan3A_65 = arith.constant 0.000000e+00 : f32
    %scan3A_66 = arith.constant 0 : i32
    %scan3A_67 = arith.constant 340 : i32
    %scan3A_68 = arith.addi %scan3A_66, %scan3A_67 : i32
    %scan3A_69 = arith.constant 4 : i32
    %scan3A_70:5 = scf.for %scan3A_417 = %scan3A_66 to %scan3A_68 step %scan3A_69 iter_args(%scan3A_418 = %scan3A, %scan3A_419 = %scan3A_63, %scan3A_420 = %scan3A_64, %scan3A_421 = %squeeze3A, %scan3A_422 = %scan3A_65) -> (i32, i32, i32, f32, f32)  : i32 {
      %lt3A_423 = arith.constant 2048 : i32
      %lt3A_424 = arith.cmpi slt, %scan3A_418, %lt3A_423 : i32
      %jit3A_425 = arith.constant 1.000000e+00 : f32
      %jit3A_426 = arith.constant 0.000000e+00 : f32
      %select_n3A_427 = arith.select %lt3A_424, %jit3A_425, %jit3A_426 : f32
      %gt3A_428 = arith.constant 1.510000e+00 : f32
      %gt3A_429 = arith.cmpf ogt, %scan3A_421, %gt3A_428 : f32
      %add3A_430 = arith.constant 3 : i32
      %add3A_431 = arith.addi %scan3A_418, %add3A_430 : i32
      %get3A_432 = arith.index_cast %add3A_431 : i32 to index
      %get3A_433 = tpu.vector_load %arg6[%get3A_432] {strides = array<i32>} : memref<2112xf32, #tpu.memory_space<vmem>>, vector<16xf32>,
      %get3A_434 = vector.shape_cast %get3A_433 : vector<16xf32> to vector<16xf32>
      %slice3A_435 = vector.extract_strided_slice %get3A_434 {offsets = [0], sizes = [1], strides = [1]} : vector<16xf32> to vector<1xf32>
      %squeeze3A_436 = vector.extract %slice3A_435[0] : f32 from vector<1xf32>
      %add3A_437 = arith.constant 12 : i32
      %add3A_438 = arith.addi %scan3A_418, %add3A_437 : i32
      %get3A_439 = arith.index_cast %add3A_438 : i32 to index
      %get3A_440 = tpu.vector_load %arg6[%get3A_439] {strides = array<i32>} : memref<2112xf32, #tpu.memory_space<vmem>>, vector<16xf32>,
      %get3A_441 = vector.shape_cast %get3A_440 : vector<16xf32> to vector<16xf32>
      %slice3A_442 = vector.extract_strided_slice %get3A_441 {offsets = [0], sizes = [1], strides = [1]} : vector<16xf32> to vector<1xf32>
      %squeeze3A_443 = vector.extract %slice3A_442[0] : f32 from vector<1xf32>
      %add3A_444 = arith.constant 3 : i32
      %add3A_445 = arith.addi %scan3A_418, %add3A_444 : i32
      %get3A_446 = arith.index_cast %add3A_445 : i32 to index
      %get3A_447 = tpu.vector_load %arg7[%get3A_446] {strides = array<i32>} : memref<2112xf32, #tpu.memory_space<vmem>>, vector<16xf32>,
      %get3A_448 = vector.shape_cast %get3A_447 : vector<16xf32> to vector<16xf32>
      %slice3A_449 = vector.extract_strided_slice %get3A_448 {offsets = [0], sizes = [1], strides = [1]} : vector<16xf32> to vector<1xf32>
      %squeeze3A_450 = vector.extract %slice3A_449[0] : f32 from vector<1xf32>
      %add3A_451 = arith.constant 12 : i32
      %add3A_452 = arith.addi %scan3A_418, %add3A_451 : i32
      %get3A_453 = arith.index_cast %add3A_452 : i32 to index
      %get3A_454 = tpu.vector_load %arg7[%get3A_453] {strides = array<i32>} : memref<2112xf32, #tpu.memory_space<vmem>>, vector<16xf32>,
      %get3A_455 = vector.shape_cast %get3A_454 : vector<16xf32> to vector<16xf32>
      %slice3A_456 = vector.extract_strided_slice %get3A_455 {offsets = [0], sizes = [1], strides = [1]} : vector<16xf32> to vector<1xf32>
      %squeeze3A_457 = vector.extract %slice3A_456[0] : f32 from vector<1xf32>
      %add3A_458 = arith.constant 6 : i32
      %add3A_459 = arith.addi %scan3A_418, %add3A_458 : i32
      %get3A_460 = arith.index_cast %add3A_459 : i32 to index
      %get3A_461 = tpu.vector_load %arg6[%get3A_460] {strides = array<i32>} : memref<2112xf32, #tpu.memory_space<vmem>>, vector<16xf32>,
      %get3A_462 = vector.shape_cast %get3A_461 : vector<16xf32> to vector<16xf32>
      %slice3A_463 = vector.extract_strided_slice %get3A_462 {offsets = [0], sizes = [1], strides = [1]} : vector<16xf32> to vector<1xf32>
      %squeeze3A_464 = vector.extract %slice3A_463[0] : f32 from vector<1xf32>
      %add3A_465 = arith.constant 15 : i32
      %add3A_466 = arith.addi %scan3A_418, %add3A_465 : i32
      %get3A_467 = arith.index_cast %add3A_466 : i32 to index
      %get3A_468 = tpu.vector_load %arg6[%get3A_467] {strides = array<i32>} : memref<2112xf32, #tpu.memory_space<vmem>>, vector<16xf32>,
      %get3A_469 = vector.shape_cast %get3A_468 : vector<16xf32> to vector<16xf32>
      %slice3A_470 = vector.extract_strided_slice %get3A_469 {offsets = [0], sizes = [1], strides = [1]} : vector<16xf32> to vector<1xf32>
      %squeeze3A_471 = vector.extract %slice3A_470[0] : f32 from vector<1xf32>
      %add3A_472 = arith.constant 24 : i32
      %add3A_473 = arith.addi %scan3A_418, %add3A_472 : i32
      %get3A_474 = arith.index_cast %add3A_473 : i32 to index
      %get3A_475 = tpu.vector_load %arg6[%get3A_474] {strides = array<i32>} : memref<2112xf32, #tpu.memory_space<vmem>>, vector<16xf32>,
      %get3A_476 = vector.shape_cast %get3A_475 : vector<16xf32> to vector<16xf32>
      %slice3A_477 = vector.extract_strided_slice %get3A_476 {offsets = [0], sizes = [1], strides = [1]} : vector<16xf32> to vector<1xf32>
      %squeeze3A_478 = vector.extract %slice3A_477[0] : f32 from vector<1xf32>
      %add3A_479 = arith.constant 6 : i32
      %add3A_480 = arith.addi %scan3A_418, %add3A_479 : i32
      %get3A_481 = arith.index_cast %add3A_480 : i32 to index
      %get3A_482 = tpu.vector_load %arg7[%get3A_481] {strides = array<i32>} : memref<2112xf32, #tpu.memory_space<vmem>>, vector<16xf32>,
      %get3A_483 = vector.shape_cast %get3A_482 : vector<16xf32> to vector<16xf32>
      %slice3A_484 = vector.extract_strided_slice %get3A_483 {offsets = [0], sizes = [1], strides = [1]} : vector<16xf32> to vector<1xf32>
      %squeeze3A_485 = vector.extract %slice3A_484[0] : f32 from vector<1xf32>
      %add3A_486 = arith.constant 15 : i32
      %add3A_487 = arith.addi %scan3A_418, %add3A_486 : i32
      %get3A_488 = arith.index_cast %add3A_487 : i32 to index
      %get3A_489 = tpu.vector_load %arg7[%get3A_488] {strides = array<i32>} : memref<2112xf32, #tpu.memory_space<vmem>>, vector<16xf32>,
      %get3A_490 = vector.shape_cast %get3A_489 : vector<16xf32> to vector<16xf32>
      %slice3A_491 = vector.extract_strided_slice %get3A_490 {offsets = [0], sizes = [1], strides = [1]} : vector<16xf32> to vector<1xf32>
      %squeeze3A_492 = vector.extract %slice3A_491[0] : f32 from vector<1xf32>
      %add3A_493 = arith.constant 24 : i32
      %add3A_494 = arith.addi %scan3A_418, %add3A_493 : i32
      %get3A_495 = arith.index_cast %add3A_494 : i32 to index
      %get3A_496 = tpu.vector_load %arg7[%get3A_495] {strides = array<i32>} : memref<2112xf32, #tpu.memory_space<vmem>>, vector<16xf32>,
      %get3A_497 = vector.shape_cast %get3A_496 : vector<16xf32> to vector<16xf32>
      %slice3A_498 = vector.extract_strided_slice %get3A_497 {offsets = [0], sizes = [1], strides = [1]} : vector<16xf32> to vector<1xf32>
      %squeeze3A_499 = vector.extract %slice3A_498[0] : f32 from vector<1xf32>
      %select_n3A_500 = arith.select %gt3A_429, %squeeze3A_450, %squeeze3A_457 : f32
      %jit3A_501 = arith.constant 0.333333343 : f32
      %jit3A_502 = arith.constant 0.0833333358 : f32
      %select_n3A_503 = arith.select %gt3A_429, %jit3A_501, %jit3A_502 : f32
      %sub3A_504 = arith.subf %select_n3A_500, %scan3A_422 : f32
      %mul3A_505 = arith.mulf %sub3A_504, %select_n3A_503 : f32
      %jit3A_506 = arith.constant 3 : i32
      %jit3A_507 = arith.constant 12 : i32
      %select_n3A_508 = arith.select %gt3A_429, %jit3A_506, %jit3A_507 : i32
      %add3A_509 = arith.addi %scan3A_418, %select_n3A_508 : i32
      %select_n3A_510 = arith.select %lt3A_424, %add3A_509, %scan3A_418 : i32
      %select_n3A_511 = arith.select %lt3A_424, %scan3A_418, %scan3A_420 : i32
      %select_n3A_512 = arith.select %gt3A_429, %squeeze3A_436, %squeeze3A_443 : f32
      %jit3A_513 = arith.constant 1 : i32
      %jit3A_514 = arith.constant 0 : i32
      %select_n3A_515 = arith.select %lt3A_424, %jit3A_513, %jit3A_514 : i32
      %add3A_516 = arith.addi %scan3A_419, %select_n3A_515 : i32
      %lt3A_517 = arith.constant 2048 : i32
      %lt3A_518 = arith.cmpi slt, %select_n3A_510, %lt3A_517 : i32
      %gt3A_519 = arith.constant 1.510000e+00 : f32
      %gt3A_520 = arith.cmpf ogt, %select_n3A_512, %gt3A_519 : f32
      %select_n3A_521 = arith.select %gt3A_429, %squeeze3A_485, %squeeze3A_492 : f32
      %select_n3A_522 = arith.select %gt3A_429, %squeeze3A_492, %squeeze3A_499 : f32
      %select_n3A_523 = arith.select %gt3A_520, %select_n3A_521, %select_n3A_522 : f32
      %select_n3A_524 = arith.select %gt3A_429, %squeeze3A_464, %squeeze3A_471 : f32
      %select_n3A_525 = arith.select %gt3A_429, %squeeze3A_471, %squeeze3A_478 : f32
      %select_n3A_526 = arith.select %gt3A_520, %select_n3A_524, %select_n3A_525 : f32
      %jit3A_527 = arith.constant 0.333333343 : f32
      %jit3A_528 = arith.constant 0.0833333358 : f32
      %select_n3A_529 = arith.select %gt3A_520, %jit3A_527, %jit3A_528 : f32
      %sub3A_530 = arith.subf %select_n3A_523, %select_n3A_500 : f32
      %mul3A_531 = arith.mulf %sub3A_530, %select_n3A_529 : f32
      %jit3A_532 = arith.constant 3 : i32
      %jit3A_533 = arith.constant 12 : i32
      %select_n3A_534 = arith.select %gt3A_520, %jit3A_532, %jit3A_533 : i32
      %add3A_535 = arith.addi %select_n3A_510, %select_n3A_534 : i32
      %select_n3A_536 = arith.select %lt3A_518, %add3A_535, %select_n3A_510 : i32
      %select_n3A_537 = arith.select %lt3A_518, %select_n3A_510, %select_n3A_511 : i32
      %jit3A_538 = arith.constant 1 : i32
      %jit3A_539 = arith.constant 0 : i32
      %select_n3A_540 = arith.select %lt3A_518, %jit3A_538, %jit3A_539 : i32
      %add3A_541 = arith.addi %add3A_516, %select_n3A_540 : i32
      %mul3A_542 = vector.broadcast %select_n3A_427 : f32 to vector<16xf32>
      %mul3A_543 = arith.mulf %convert_element_type3A_60, %mul3A_542 : vector<16xf32>
      %sub3A_544 = arith.constant 1.000000e+00 : f32
      %sub3A_545 = arith.subf %sub3A_544, %select_n3A_427 : f32
      %mul3A_546 = vector.broadcast %sub3A_545 : f32 to vector<16xf32>
      %mul3A_547 = arith.mulf %convert_element_type3A, %mul3A_546 : vector<16xf32>
      %add3A_548 = arith.addf %mul3A_543, %mul3A_547 : vector<16xf32>
      %mul3A_549 = vector.broadcast %mul3A_505 : f32 to vector<16xf32>
      %mul3A_550 = arith.mulf %convert_element_type3A, %mul3A_549 : vector<16xf32>
      %mul3A_551 = vector.broadcast %mul3A_531 : f32 to vector<16xf32>
      %mul3A_552 = arith.mulf %add3A_548, %mul3A_551 : vector<16xf32>
      %add3A_553 = arith.addf %mul3A_550, %mul3A_552 : vector<16xf32>
      %swap3A_554 = arith.index_cast %scan3A_419 : i32 to index
      %swap3A_555 = tpu.vector_load %arg8[%swap3A_554] {strides = array<i32>} : memref<704xf32, #tpu.memory_space<vmem>>, vector<16xf32>,
      %swap3A_556 = vector.shape_cast %swap3A_555 : vector<16xf32> to vector<16xf32>
      %swap3A_557 = vector.shape_cast %add3A_553 : vector<16xf32> to vector<16xf32>
      tpu.vector_store %arg8[%swap3A_554], %swap3A_557 {strides = array<i32>} : memref<704xf32, #tpu.memory_space<vmem>>, vector<16xf32>,
      %scan3A_558 = arith.constant 1 : i32
      %scan3A_559 = arith.addi %scan3A_417, %scan3A_558 : i32
      %lt3A_560 = arith.constant 2048 : i32
      %lt3A_561 = arith.cmpi slt, %select_n3A_536, %lt3A_560 : i32
      %jit3A_562 = arith.constant 1.000000e+00 : f32
      %jit3A_563 = arith.constant 0.000000e+00 : f32
      %select_n3A_564 = arith.select %lt3A_561, %jit3A_562, %jit3A_563 : f32
      %gt3A_565 = arith.constant 1.510000e+00 : f32
      %gt3A_566 = arith.cmpf ogt, %select_n3A_526, %gt3A_565 : f32
      %add3A_567 = arith.constant 3 : i32
      %add3A_568 = arith.addi %select_n3A_536, %add3A_567 : i32
      %get3A_569 = arith.index_cast %add3A_568 : i32 to index
      %get3A_570 = tpu.vector_load %arg6[%get3A_569] {strides = array<i32>} : memref<2112xf32, #tpu.memory_space<vmem>>, vector<16xf32>,
      %get3A_571 = vector.shape_cast %get3A_570 : vector<16xf32> to vector<16xf32>
      %slice3A_572 = vector.extract_strided_slice %get3A_571 {offsets = [0], sizes = [1], strides = [1]} : vector<16xf32> to vector<1xf32>
      %squeeze3A_573 = vector.extract %slice3A_572[0] : f32 from vector<1xf32>
      %add3A_574 = arith.constant 12 : i32
      %add3A_575 = arith.addi %select_n3A_536, %add3A_574 : i32
      %get3A_576 = arith.index_cast %add3A_575 : i32 to index
      %get3A_577 = tpu.vector_load %arg6[%get3A_576] {strides = array<i32>} : memref<2112xf32, #tpu.memory_space<vmem>>, vector<16xf32>,
      %get3A_578 = vector.shape_cast %get3A_577 : vector<16xf32> to vector<16xf32>
      %slice3A_579 = vector.extract_strided_slice %get3A_578 {offsets = [0], sizes = [1], strides = [1]} : vector<16xf32> to vector<1xf32>
      %squeeze3A_580 = vector.extract %slice3A_579[0] : f32 from vector<1xf32>
      %add3A_581 = arith.constant 3 : i32
      %add3A_582 = arith.addi %select_n3A_536, %add3A_581 : i32
      %get3A_583 = arith.index_cast %add3A_582 : i32 to index
      %get3A_584 = tpu.vector_load %arg7[%get3A_583] {strides = array<i32>} : memref<2112xf32, #tpu.memory_space<vmem>>, vector<16xf32>,
      %get3A_585 = vector.shape_cast %get3A_584 : vector<16xf32> to vector<16xf32>
      %slice3A_586 = vector.extract_strided_slice %get3A_585 {offsets = [0], sizes = [1], strides = [1]} : vector<16xf32> to vector<1xf32>
      %squeeze3A_587 = vector.extract %slice3A_586[0] : f32 from vector<1xf32>
      %add3A_588 = arith.constant 12 : i32
      %add3A_589 = arith.addi %select_n3A_536, %add3A_588 : i32
      %get3A_590 = arith.index_cast %add3A_589 : i32 to index
      %get3A_591 = tpu.vector_load %arg7[%get3A_590] {strides = array<i32>} : memref<2112xf32, #tpu.memory_space<vmem>>, vector<16xf32>,
      %get3A_592 = vector.shape_cast %get3A_591 : vector<16xf32> to vector<16xf32>
      %slice3A_593 = vector.extract_strided_slice %get3A_592 {offsets = [0], sizes = [1], strides = [1]} : vector<16xf32> to vector<1xf32>
      %squeeze3A_594 = vector.extract %slice3A_593[0] : f32 from vector<1xf32>
      %add3A_595 = arith.constant 6 : i32
      %add3A_596 = arith.addi %select_n3A_536, %add3A_595 : i32
      %get3A_597 = arith.index_cast %add3A_596 : i32 to index
      %get3A_598 = tpu.vector_load %arg6[%get3A_597] {strides = array<i32>} : memref<2112xf32, #tpu.memory_space<vmem>>, vector<16xf32>,
      %get3A_599 = vector.shape_cast %get3A_598 : vector<16xf32> to vector<16xf32>
      %slice3A_600 = vector.extract_strided_slice %get3A_599 {offsets = [0], sizes = [1], strides = [1]} : vector<16xf32> to vector<1xf32>
      %squeeze3A_601 = vector.extract %slice3A_600[0] : f32 from vector<1xf32>
      %add3A_602 = arith.constant 15 : i32
      %add3A_603 = arith.addi %select_n3A_536, %add3A_602 : i32
      %get3A_604 = arith.index_cast %add3A_603 : i32 to index
      %get3A_605 = tpu.vector_load %arg6[%get3A_604] {strides = array<i32>} : memref<2112xf32, #tpu.memory_space<vmem>>, vector<16xf32>,
      %get3A_606 = vector.shape_cast %get3A_605 : vector<16xf32> to vector<16xf32>
      %slice3A_607 = vector.extract_strided_slice %get3A_606 {offsets = [0], sizes = [1], strides = [1]} : vector<16xf32> to vector<1xf32>
      %squeeze3A_608 = vector.extract %slice3A_607[0] : f32 from vector<1xf32>
      %add3A_609 = arith.constant 24 : i32
      %add3A_610 = arith.addi %select_n3A_536, %add3A_609 : i32
      %get3A_611 = arith.index_cast %add3A_610 : i32 to index
      %get3A_612 = tpu.vector_load %arg6[%get3A_611] {strides = array<i32>} : memref<2112xf32, #tpu.memory_space<vmem>>, vector<16xf32>,
      %get3A_613 = vector.shape_cast %get3A_612 : vector<16xf32> to vector<16xf32>
      %slice3A_614 = vector.extract_strided_slice %get3A_613 {offsets = [0], sizes = [1], strides = [1]} : vector<16xf32> to vector<1xf32>
      %squeeze3A_615 = vector.extract %slice3A_614[0] : f32 from vector<1xf32>
      %add3A_616 = arith.constant 6 : i32
      %add3A_617 = arith.addi %select_n3A_536, %add3A_616 : i32
      %get3A_618 = arith.index_cast %add3A_617 : i32 to index
      %get3A_619 = tpu.vector_load %arg7[%get3A_618] {strides = array<i32>} : memref<2112xf32, #tpu.memory_space<vmem>>, vector<16xf32>,
      %get3A_620 = vector.shape_cast %get3A_619 : vector<16xf32> to vector<16xf32>
      %slice3A_621 = vector.extract_strided_slice %get3A_620 {offsets = [0], sizes = [1], strides = [1]} : vector<16xf32> to vector<1xf32>
      %squeeze3A_622 = vector.extract %slice3A_621[0] : f32 from vector<1xf32>
      %add3A_623 = arith.constant 15 : i32
      %add3A_624 = arith.addi %select_n3A_536, %add3A_623 : i32
      %get3A_625 = arith.index_cast %add3A_624 : i32 to index
      %get3A_626 = tpu.vector_load %arg7[%get3A_625] {strides = array<i32>} : memref<2112xf32, #tpu.memory_space<vmem>>, vector<16xf32>,
      %get3A_627 = vector.shape_cast %get3A_626 : vector<16xf32> to vector<16xf32>
      %slice3A_628 = vector.extract_strided_slice %get3A_627 {offsets = [0], sizes = [1], strides = [1]} : vector<16xf32> to vector<1xf32>
      %squeeze3A_629 = vector.extract %slice3A_628[0] : f32 from vector<1xf32>
      %add3A_630 = arith.constant 24 : i32
      %add3A_631 = arith.addi %select_n3A_536, %add3A_630 : i32
      %get3A_632 = arith.index_cast %add3A_631 : i32 to index
      %get3A_633 = tpu.vector_load %arg7[%get3A_632] {strides = array<i32>} : memref<2112xf32, #tpu.memory_space<vmem>>, vector<16xf32>,
      %get3A_634 = vector.shape_cast %get3A_633 : vector<16xf32> to vector<16xf32>
      %slice3A_635 = vector.extract_strided_slice %get3A_634 {offsets = [0], sizes = [1], strides = [1]} : vector<16xf32> to vector<1xf32>
      %squeeze3A_636 = vector.extract %slice3A_635[0] : f32 from vector<1xf32>
      %select_n3A_637 = arith.select %gt3A_566, %squeeze3A_587, %squeeze3A_594 : f32
      %jit3A_638 = arith.constant 0.333333343 : f32
      %jit3A_639 = arith.constant 0.0833333358 : f32
      %select_n3A_640 = arith.select %gt3A_566, %jit3A_638, %jit3A_639 : f32
      %sub3A_641 = arith.subf %select_n3A_637, %select_n3A_523 : f32
      %mul3A_642 = arith.mulf %sub3A_641, %select_n3A_640 : f32
      %jit3A_643 = arith.constant 3 : i32
      %jit3A_644 = arith.constant 12 : i32
      %select_n3A_645 = arith.select %gt3A_566, %jit3A_643, %jit3A_644 : i32
      %add3A_646 = arith.addi %select_n3A_536, %select_n3A_645 : i32
      %select_n3A_647 = arith.select %lt3A_561, %add3A_646, %select_n3A_536 : i32
      %select_n3A_648 = arith.select %lt3A_561, %select_n3A_536, %select_n3A_537 : i32
      %select_n3A_649 = arith.select %gt3A_566, %squeeze3A_573, %squeeze3A_580 : f32
      %jit3A_650 = arith.constant 1 : i32
      %jit3A_651 = arith.constant 0 : i32
      %select_n3A_652 = arith.select %lt3A_561, %jit3A_650, %jit3A_651 : i32
      %add3A_653 = arith.addi %add3A_541, %select_n3A_652 : i32
      %lt3A_654 = arith.constant 2048 : i32
      %lt3A_655 = arith.cmpi slt, %select_n3A_647, %lt3A_654 : i32
      %gt3A_656 = arith.constant 1.510000e+00 : f32
      %gt3A_657 = arith.cmpf ogt, %select_n3A_649, %gt3A_656 : f32
      %select_n3A_658 = arith.select %gt3A_566, %squeeze3A_622, %squeeze3A_629 : f32
      %select_n3A_659 = arith.select %gt3A_566, %squeeze3A_629, %squeeze3A_636 : f32
      %select_n3A_660 = arith.select %gt3A_657, %select_n3A_658, %select_n3A_659 : f32
      %select_n3A_661 = arith.select %gt3A_566, %squeeze3A_601, %squeeze3A_608 : f32
      %select_n3A_662 = arith.select %gt3A_566, %squeeze3A_608, %squeeze3A_615 : f32
      %select_n3A_663 = arith.select %gt3A_657, %select_n3A_661, %select_n3A_662 : f32
      %jit3A_664 = arith.constant 0.333333343 : f32
      %jit3A_665 = arith.constant 0.0833333358 : f32
      %select_n3A_666 = arith.select %gt3A_657, %jit3A_664, %jit3A_665 : f32
      %sub3A_667 = arith.subf %select_n3A_660, %select_n3A_637 : f32
      %mul3A_668 = arith.mulf %sub3A_667, %select_n3A_666 : f32
      %jit3A_669 = arith.constant 3 : i32
      %jit3A_670 = arith.constant 12 : i32
      %select_n3A_671 = arith.select %gt3A_657, %jit3A_669, %jit3A_670 : i32
      %add3A_672 = arith.addi %select_n3A_647, %select_n3A_671 : i32
      %select_n3A_673 = arith.select %lt3A_655, %add3A_672, %select_n3A_647 : i32
      %select_n3A_674 = arith.select %lt3A_655, %select_n3A_647, %select_n3A_648 : i32
      %jit3A_675 = arith.constant 1 : i32
      %jit3A_676 = arith.constant 0 : i32
      %select_n3A_677 = arith.select %lt3A_655, %jit3A_675, %jit3A_676 : i32
      %add3A_678 = arith.addi %add3A_653, %select_n3A_677 : i32
      %mul3A_679 = vector.broadcast %select_n3A_564 : f32 to vector<16xf32>
      %mul3A_680 = arith.mulf %convert_element_type3A_60, %mul3A_679 : vector<16xf32>
      %sub3A_681 = arith.constant 1.000000e+00 : f32
      %sub3A_682 = arith.subf %sub3A_681, %select_n3A_564 : f32
      %mul3A_683 = vector.broadcast %sub3A_682 : f32 to vector<16xf32>
      %mul3A_684 = arith.mulf %convert_element_type3A, %mul3A_683 : vector<16xf32>
      %add3A_685 = arith.addf %mul3A_680, %mul3A_684 : vector<16xf32>
      %mul3A_686 = vector.broadcast %mul3A_642 : f32 to vector<16xf32>
      %mul3A_687 = arith.mulf %convert_element_type3A, %mul3A_686 : vector<16xf32>
      %mul3A_688 = vector.broadcast %mul3A_668 : f32 to vector<16xf32>
      %mul3A_689 = arith.mulf %add3A_685, %mul3A_688 : vector<16xf32>
      %add3A_690 = arith.addf %mul3A_687, %mul3A_689 : vector<16xf32>
      %swap3A_691 = arith.index_cast %add3A_541 : i32 to index
      %swap3A_692 = tpu.vector_load %arg8[%swap3A_691] {strides = array<i32>} : memref<704xf32, #tpu.memory_space<vmem>>, vector<16xf32>,
      %swap3A_693 = vector.shape_cast %swap3A_692 : vector<16xf32> to vector<16xf32>
      %swap3A_694 = vector.shape_cast %add3A_690 : vector<16xf32> to vector<16xf32>
      tpu.vector_store %arg8[%swap3A_691], %swap3A_694 {strides = array<i32>} : memref<704xf32, #tpu.memory_space<vmem>>, vector<16xf32>,
      %scan3A_695 = arith.constant 2 : i32
      %scan3A_696 = arith.addi %scan3A_417, %scan3A_695 : i32
      %lt3A_697 = arith.constant 2048 : i32
      %lt3A_698 = arith.cmpi slt, %select_n3A_673, %lt3A_697 : i32
      %jit3A_699 = arith.constant 1.000000e+00 : f32
      %jit3A_700 = arith.constant 0.000000e+00 : f32
      %select_n3A_701 = arith.select %lt3A_698, %jit3A_699, %jit3A_700 : f32
      %gt3A_702 = arith.constant 1.510000e+00 : f32
      %gt3A_703 = arith.cmpf ogt, %select_n3A_663, %gt3A_702 : f32
      %add3A_704 = arith.constant 3 : i32
      %add3A_705 = arith.addi %select_n3A_673, %add3A_704 : i32
      %get3A_706 = arith.index_cast %add3A_705 : i32 to index
      %get3A_707 = tpu.vector_load %arg6[%get3A_706] {strides = array<i32>} : memref<2112xf32, #tpu.memory_space<vmem>>, vector<16xf32>,
      %get3A_708 = vector.shape_cast %get3A_707 : vector<16xf32> to vector<16xf32>
      %slice3A_709 = vector.extract_strided_slice %get3A_708 {offsets = [0], sizes = [1], strides = [1]} : vector<16xf32> to vector<1xf32>
      %squeeze3A_710 = vector.extract %slice3A_709[0] : f32 from vector<1xf32>
      %add3A_711 = arith.constant 12 : i32
      %add3A_712 = arith.addi %select_n3A_673, %add3A_711 : i32
      %get3A_713 = arith.index_cast %add3A_712 : i32 to index
      %get3A_714 = tpu.vector_load %arg6[%get3A_713] {strides = array<i32>} : memref<2112xf32, #tpu.memory_space<vmem>>, vector<16xf32>,
      %get3A_715 = vector.shape_cast %get3A_714 : vector<16xf32> to vector<16xf32>
      %slice3A_716 = vector.extract_strided_slice %get3A_715 {offsets = [0], sizes = [1], strides = [1]} : vector<16xf32> to vector<1xf32>
      %squeeze3A_717 = vector.extract %slice3A_716[0] : f32 from vector<1xf32>
      %add3A_718 = arith.constant 3 : i32
      %add3A_719 = arith.addi %select_n3A_673, %add3A_718 : i32
      %get3A_720 = arith.index_cast %add3A_719 : i32 to index
      %get3A_721 = tpu.vector_load %arg7[%get3A_720] {strides = array<i32>} : memref<2112xf32, #tpu.memory_space<vmem>>, vector<16xf32>,
      %get3A_722 = vector.shape_cast %get3A_721 : vector<16xf32> to vector<16xf32>
      %slice3A_723 = vector.extract_strided_slice %get3A_722 {offsets = [0], sizes = [1], strides = [1]} : vector<16xf32> to vector<1xf32>
      %squeeze3A_724 = vector.extract %slice3A_723[0] : f32 from vector<1xf32>
      %add3A_725 = arith.constant 12 : i32
      %add3A_726 = arith.addi %select_n3A_673, %add3A_725 : i32
      %get3A_727 = arith.index_cast %add3A_726 : i32 to index
      %get3A_728 = tpu.vector_load %arg7[%get3A_727] {strides = array<i32>} : memref<2112xf32, #tpu.memory_space<vmem>>, vector<16xf32>,
      %get3A_729 = vector.shape_cast %get3A_728 : vector<16xf32> to vector<16xf32>
      %slice3A_730 = vector.extract_strided_slice %get3A_729 {offsets = [0], sizes = [1], strides = [1]} : vector<16xf32> to vector<1xf32>
      %squeeze3A_731 = vector.extract %slice3A_730[0] : f32 from vector<1xf32>
      %add3A_732 = arith.constant 6 : i32
      %add3A_733 = arith.addi %select_n3A_673, %add3A_732 : i32
      %get3A_734 = arith.index_cast %add3A_733 : i32 to index
      %get3A_735 = tpu.vector_load %arg6[%get3A_734] {strides = array<i32>} : memref<2112xf32, #tpu.memory_space<vmem>>, vector<16xf32>,
      %get3A_736 = vector.shape_cast %get3A_735 : vector<16xf32> to vector<16xf32>
      %slice3A_737 = vector.extract_strided_slice %get3A_736 {offsets = [0], sizes = [1], strides = [1]} : vector<16xf32> to vector<1xf32>
      %squeeze3A_738 = vector.extract %slice3A_737[0] : f32 from vector<1xf32>
      %add3A_739 = arith.constant 15 : i32
      %add3A_740 = arith.addi %select_n3A_673, %add3A_739 : i32
      %get3A_741 = arith.index_cast %add3A_740 : i32 to index
      %get3A_742 = tpu.vector_load %arg6[%get3A_741] {strides = array<i32>} : memref<2112xf32, #tpu.memory_space<vmem>>, vector<16xf32>,
      %get3A_743 = vector.shape_cast %get3A_742 : vector<16xf32> to vector<16xf32>
      %slice3A_744 = vector.extract_strided_slice %get3A_743 {offsets = [0], sizes = [1], strides = [1]} : vector<16xf32> to vector<1xf32>
      %squeeze3A_745 = vector.extract %slice3A_744[0] : f32 from vector<1xf32>
      %add3A_746 = arith.constant 24 : i32
      %add3A_747 = arith.addi %select_n3A_673, %add3A_746 : i32
      %get3A_748 = arith.index_cast %add3A_747 : i32 to index
      %get3A_749 = tpu.vector_load %arg6[%get3A_748] {strides = array<i32>} : memref<2112xf32, #tpu.memory_space<vmem>>, vector<16xf32>,
      %get3A_750 = vector.shape_cast %get3A_749 : vector<16xf32> to vector<16xf32>
      %slice3A_751 = vector.extract_strided_slice %get3A_750 {offsets = [0], sizes = [1], strides = [1]} : vector<16xf32> to vector<1xf32>
      %squeeze3A_752 = vector.extract %slice3A_751[0] : f32 from vector<1xf32>
      %add3A_753 = arith.constant 6 : i32
      %add3A_754 = arith.addi %select_n3A_673, %add3A_753 : i32
      %get3A_755 = arith.index_cast %add3A_754 : i32 to index
      %get3A_756 = tpu.vector_load %arg7[%get3A_755] {strides = array<i32>} : memref<2112xf32, #tpu.memory_space<vmem>>, vector<16xf32>,
      %get3A_757 = vector.shape_cast %get3A_756 : vector<16xf32> to vector<16xf32>
      %slice3A_758 = vector.extract_strided_slice %get3A_757 {offsets = [0], sizes = [1], strides = [1]} : vector<16xf32> to vector<1xf32>
      %squeeze3A_759 = vector.extract %slice3A_758[0] : f32 from vector<1xf32>
      %add3A_760 = arith.constant 15 : i32
      %add3A_761 = arith.addi %select_n3A_673, %add3A_760 : i32
      %get3A_762 = arith.index_cast %add3A_761 : i32 to index
      %get3A_763 = tpu.vector_load %arg7[%get3A_762] {strides = array<i32>} : memref<2112xf32, #tpu.memory_space<vmem>>, vector<16xf32>,
      %get3A_764 = vector.shape_cast %get3A_763 : vector<16xf32> to vector<16xf32>
      %slice3A_765 = vector.extract_strided_slice %get3A_764 {offsets = [0], sizes = [1], strides = [1]} : vector<16xf32> to vector<1xf32>
      %squeeze3A_766 = vector.extract %slice3A_765[0] : f32 from vector<1xf32>
      %add3A_767 = arith.constant 24 : i32
      %add3A_768 = arith.addi %select_n3A_673, %add3A_767 : i32
      %get3A_769 = arith.index_cast %add3A_768 : i32 to index
      %get3A_770 = tpu.vector_load %arg7[%get3A_769] {strides = array<i32>} : memref<2112xf32, #tpu.memory_space<vmem>>, vector<16xf32>,
      %get3A_771 = vector.shape_cast %get3A_770 : vector<16xf32> to vector<16xf32>
      %slice3A_772 = vector.extract_strided_slice %get3A_771 {offsets = [0], sizes = [1], strides = [1]} : vector<16xf32> to vector<1xf32>
      %squeeze3A_773 = vector.extract %slice3A_772[0] : f32 from vector<1xf32>
      %select_n3A_774 = arith.select %gt3A_703, %squeeze3A_724, %squeeze3A_731 : f32
      %jit3A_775 = arith.constant 0.333333343 : f32
      %jit3A_776 = arith.constant 0.0833333358 : f32
      %select_n3A_777 = arith.select %gt3A_703, %jit3A_775, %jit3A_776 : f32
      %sub3A_778 = arith.subf %select_n3A_774, %select_n3A_660 : f32
      %mul3A_779 = arith.mulf %sub3A_778, %select_n3A_777 : f32
      %jit3A_780 = arith.constant 3 : i32
      %jit3A_781 = arith.constant 12 : i32
      %select_n3A_782 = arith.select %gt3A_703, %jit3A_780, %jit3A_781 : i32
      %add3A_783 = arith.addi %select_n3A_673, %select_n3A_782 : i32
      %select_n3A_784 = arith.select %lt3A_698, %add3A_783, %select_n3A_673 : i32
      %select_n3A_785 = arith.select %lt3A_698, %select_n3A_673, %select_n3A_674 : i32
      %select_n3A_786 = arith.select %gt3A_703, %squeeze3A_710, %squeeze3A_717 : f32
      %jit3A_787 = arith.constant 1 : i32
      %jit3A_788 = arith.constant 0 : i32
      %select_n3A_789 = arith.select %lt3A_698, %jit3A_787, %jit3A_788 : i32
      %add3A_790 = arith.addi %add3A_678, %select_n3A_789 : i32
      %lt3A_791 = arith.constant 2048 : i32
      %lt3A_792 = arith.cmpi slt, %select_n3A_784, %lt3A_791 : i32
      %gt3A_793 = arith.constant 1.510000e+00 : f32
      %gt3A_794 = arith.cmpf ogt, %select_n3A_786, %gt3A_793 : f32
      %select_n3A_795 = arith.select %gt3A_703, %squeeze3A_759, %squeeze3A_766 : f32
      %select_n3A_796 = arith.select %gt3A_703, %squeeze3A_766, %squeeze3A_773 : f32
      %select_n3A_797 = arith.select %gt3A_794, %select_n3A_795, %select_n3A_796 : f32
      %select_n3A_798 = arith.select %gt3A_703, %squeeze3A_738, %squeeze3A_745 : f32
      %select_n3A_799 = arith.select %gt3A_703, %squeeze3A_745, %squeeze3A_752 : f32
      %select_n3A_800 = arith.select %gt3A_794, %select_n3A_798, %select_n3A_799 : f32
      %jit3A_801 = arith.constant 0.333333343 : f32
      %jit3A_802 = arith.constant 0.0833333358 : f32
      %select_n3A_803 = arith.select %gt3A_794, %jit3A_801, %jit3A_802 : f32
      %sub3A_804 = arith.subf %select_n3A_797, %select_n3A_774 : f32
      %mul3A_805 = arith.mulf %sub3A_804, %select_n3A_803 : f32
      %jit3A_806 = arith.constant 3 : i32
      %jit3A_807 = arith.constant 12 : i32
      %select_n3A_808 = arith.select %gt3A_794, %jit3A_806, %jit3A_807 : i32
      %add3A_809 = arith.addi %select_n3A_784, %select_n3A_808 : i32
      %select_n3A_810 = arith.select %lt3A_792, %add3A_809, %select_n3A_784 : i32
      %select_n3A_811 = arith.select %lt3A_792, %select_n3A_784, %select_n3A_785 : i32
      %jit3A_812 = arith.constant 1 : i32
      %jit3A_813 = arith.constant 0 : i32
      %select_n3A_814 = arith.select %lt3A_792, %jit3A_812, %jit3A_813 : i32
      %add3A_815 = arith.addi %add3A_790, %select_n3A_814 : i32
      %mul3A_816 = vector.broadcast %select_n3A_701 : f32 to vector<16xf32>
      %mul3A_817 = arith.mulf %convert_element_type3A_60, %mul3A_816 : vector<16xf32>
      %sub3A_818 = arith.constant 1.000000e+00 : f32
      %sub3A_819 = arith.subf %sub3A_818, %select_n3A_701 : f32
      %mul3A_820 = vector.broadcast %sub3A_819 : f32 to vector<16xf32>
      %mul3A_821 = arith.mulf %convert_element_type3A, %mul3A_820 : vector<16xf32>
      %add3A_822 = arith.addf %mul3A_817, %mul3A_821 : vector<16xf32>
      %mul3A_823 = vector.broadcast %mul3A_779 : f32 to vector<16xf32>
      %mul3A_824 = arith.mulf %convert_element_type3A, %mul3A_823 : vector<16xf32>
      %mul3A_825 = vector.broadcast %mul3A_805 : f32 to vector<16xf32>
      %mul3A_826 = arith.mulf %add3A_822, %mul3A_825 : vector<16xf32>
      %add3A_827 = arith.addf %mul3A_824, %mul3A_826 : vector<16xf32>
      %swap3A_828 = arith.index_cast %add3A_678 : i32 to index
      %swap3A_829 = tpu.vector_load %arg8[%swap3A_828] {strides = array<i32>} : memref<704xf32, #tpu.memory_space<vmem>>, vector<16xf32>,
      %swap3A_830 = vector.shape_cast %swap3A_829 : vector<16xf32> to vector<16xf32>
      %swap3A_831 = vector.shape_cast %add3A_827 : vector<16xf32> to vector<16xf32>
      tpu.vector_store %arg8[%swap3A_828], %swap3A_831 {strides = array<i32>} : memref<704xf32, #tpu.memory_space<vmem>>, vector<16xf32>,
      %scan3A_832 = arith.constant 3 : i32
      %scan3A_833 = arith.addi %scan3A_417, %scan3A_832 : i32
      %lt3A_834 = arith.constant 2048 : i32
      %lt3A_835 = arith.cmpi slt, %select_n3A_810, %lt3A_834 : i32
      %jit3A_836 = arith.constant 1.000000e+00 : f32
      %jit3A_837 = arith.constant 0.000000e+00 : f32
      %select_n3A_838 = arith.select %lt3A_835, %jit3A_836, %jit3A_837 : f32
      %gt3A_839 = arith.constant 1.510000e+00 : f32
      %gt3A_840 = arith.cmpf ogt, %select_n3A_800, %gt3A_839 : f32
      %add3A_841 = arith.constant 3 : i32
      %add3A_842 = arith.addi %select_n3A_810, %add3A_841 : i32
      %get3A_843 = arith.index_cast %add3A_842 : i32 to index
      %get3A_844 = tpu.vector_load %arg6[%get3A_843] {strides = array<i32>} : memref<2112xf32, #tpu.memory_space<vmem>>, vector<16xf32>,
      %get3A_845 = vector.shape_cast %get3A_844 : vector<16xf32> to vector<16xf32>
      %slice3A_846 = vector.extract_strided_slice %get3A_845 {offsets = [0], sizes = [1], strides = [1]} : vector<16xf32> to vector<1xf32>
      %squeeze3A_847 = vector.extract %slice3A_846[0] : f32 from vector<1xf32>
      %add3A_848 = arith.constant 12 : i32
      %add3A_849 = arith.addi %select_n3A_810, %add3A_848 : i32
      %get3A_850 = arith.index_cast %add3A_849 : i32 to index
      %get3A_851 = tpu.vector_load %arg6[%get3A_850] {strides = array<i32>} : memref<2112xf32, #tpu.memory_space<vmem>>, vector<16xf32>,
      %get3A_852 = vector.shape_cast %get3A_851 : vector<16xf32> to vector<16xf32>
      %slice3A_853 = vector.extract_strided_slice %get3A_852 {offsets = [0], sizes = [1], strides = [1]} : vector<16xf32> to vector<1xf32>
      %squeeze3A_854 = vector.extract %slice3A_853[0] : f32 from vector<1xf32>
      %add3A_855 = arith.constant 3 : i32
      %add3A_856 = arith.addi %select_n3A_810, %add3A_855 : i32
      %get3A_857 = arith.index_cast %add3A_856 : i32 to index
      %get3A_858 = tpu.vector_load %arg7[%get3A_857] {strides = array<i32>} : memref<2112xf32, #tpu.memory_space<vmem>>, vector<16xf32>,
      %get3A_859 = vector.shape_cast %get3A_858 : vector<16xf32> to vector<16xf32>
      %slice3A_860 = vector.extract_strided_slice %get3A_859 {offsets = [0], sizes = [1], strides = [1]} : vector<16xf32> to vector<1xf32>
      %squeeze3A_861 = vector.extract %slice3A_860[0] : f32 from vector<1xf32>
      %add3A_862 = arith.constant 12 : i32
      %add3A_863 = arith.addi %select_n3A_810, %add3A_862 : i32
      %get3A_864 = arith.index_cast %add3A_863 : i32 to index
      %get3A_865 = tpu.vector_load %arg7[%get3A_864] {strides = array<i32>} : memref<2112xf32, #tpu.memory_space<vmem>>, vector<16xf32>,
      %get3A_866 = vector.shape_cast %get3A_865 : vector<16xf32> to vector<16xf32>
      %slice3A_867 = vector.extract_strided_slice %get3A_866 {offsets = [0], sizes = [1], strides = [1]} : vector<16xf32> to vector<1xf32>
      %squeeze3A_868 = vector.extract %slice3A_867[0] : f32 from vector<1xf32>
      %add3A_869 = arith.constant 6 : i32
      %add3A_870 = arith.addi %select_n3A_810, %add3A_869 : i32
      %get3A_871 = arith.index_cast %add3A_870 : i32 to index
      %get3A_872 = tpu.vector_load %arg6[%get3A_871] {strides = array<i32>} : memref<2112xf32, #tpu.memory_space<vmem>>, vector<16xf32>,
      %get3A_873 = vector.shape_cast %get3A_872 : vector<16xf32> to vector<16xf32>
      %slice3A_874 = vector.extract_strided_slice %get3A_873 {offsets = [0], sizes = [1], strides = [1]} : vector<16xf32> to vector<1xf32>
      %squeeze3A_875 = vector.extract %slice3A_874[0] : f32 from vector<1xf32>
      %add3A_876 = arith.constant 15 : i32
      %add3A_877 = arith.addi %select_n3A_810, %add3A_876 : i32
      %get3A_878 = arith.index_cast %add3A_877 : i32 to index
      %get3A_879 = tpu.vector_load %arg6[%get3A_878] {strides = array<i32>} : memref<2112xf32, #tpu.memory_space<vmem>>, vector<16xf32>,
      %get3A_880 = vector.shape_cast %get3A_879 : vector<16xf32> to vector<16xf32>
      %slice3A_881 = vector.extract_strided_slice %get3A_880 {offsets = [0], sizes = [1], strides = [1]} : vector<16xf32> to vector<1xf32>
      %squeeze3A_882 = vector.extract %slice3A_881[0] : f32 from vector<1xf32>
      %add3A_883 = arith.constant 24 : i32
      %add3A_884 = arith.addi %select_n3A_810, %add3A_883 : i32
      %get3A_885 = arith.index_cast %add3A_884 : i32 to index
      %get3A_886 = tpu.vector_load %arg6[%get3A_885] {strides = array<i32>} : memref<2112xf32, #tpu.memory_space<vmem>>, vector<16xf32>,
      %get3A_887 = vector.shape_cast %get3A_886 : vector<16xf32> to vector<16xf32>
      %slice3A_888 = vector.extract_strided_slice %get3A_887 {offsets = [0], sizes = [1], strides = [1]} : vector<16xf32> to vector<1xf32>
      %squeeze3A_889 = vector.extract %slice3A_888[0] : f32 from vector<1xf32>
      %add3A_890 = arith.constant 6 : i32
      %add3A_891 = arith.addi %select_n3A_810, %add3A_890 : i32
      %get3A_892 = arith.index_cast %add3A_891 : i32 to index
      %get3A_893 = tpu.vector_load %arg7[%get3A_892] {strides = array<i32>} : memref<2112xf32, #tpu.memory_space<vmem>>, vector<16xf32>,
      %get3A_894 = vector.shape_cast %get3A_893 : vector<16xf32> to vector<16xf32>
      %slice3A_895 = vector.extract_strided_slice %get3A_894 {offsets = [0], sizes = [1], strides = [1]} : vector<16xf32> to vector<1xf32>
      %squeeze3A_896 = vector.extract %slice3A_895[0] : f32 from vector<1xf32>
      %add3A_897 = arith.constant 15 : i32
      %add3A_898 = arith.addi %select_n3A_810, %add3A_897 : i32
      %get3A_899 = arith.index_cast %add3A_898 : i32 to index
      %get3A_900 = tpu.vector_load %arg7[%get3A_899] {strides = array<i32>} : memref<2112xf32, #tpu.memory_space<vmem>>, vector<16xf32>,
      %get3A_901 = vector.shape_cast %get3A_900 : vector<16xf32> to vector<16xf32>
      %slice3A_902 = vector.extract_strided_slice %get3A_901 {offsets = [0], sizes = [1], strides = [1]} : vector<16xf32> to vector<1xf32>
      %squeeze3A_903 = vector.extract %slice3A_902[0] : f32 from vector<1xf32>
      %add3A_904 = arith.constant 24 : i32
      %add3A_905 = arith.addi %select_n3A_810, %add3A_904 : i32
      %get3A_906 = arith.index_cast %add3A_905 : i32 to index
      %get3A_907 = tpu.vector_load %arg7[%get3A_906] {strides = array<i32>} : memref<2112xf32, #tpu.memory_space<vmem>>, vector<16xf32>,
      %get3A_908 = vector.shape_cast %get3A_907 : vector<16xf32> to vector<16xf32>
      %slice3A_909 = vector.extract_strided_slice %get3A_908 {offsets = [0], sizes = [1], strides = [1]} : vector<16xf32> to vector<1xf32>
      %squeeze3A_910 = vector.extract %slice3A_909[0] : f32 from vector<1xf32>
      %select_n3A_911 = arith.select %gt3A_840, %squeeze3A_861, %squeeze3A_868 : f32
      %jit3A_912 = arith.constant 0.333333343 : f32
      %jit3A_913 = arith.constant 0.0833333358 : f32
      %select_n3A_914 = arith.select %gt3A_840, %jit3A_912, %jit3A_913 : f32
      %sub3A_915 = arith.subf %select_n3A_911, %select_n3A_797 : f32
      %mul3A_916 = arith.mulf %sub3A_915, %select_n3A_914 : f32
      %jit3A_917 = arith.constant 3 : i32
      %jit3A_918 = arith.constant 12 : i32
      %select_n3A_919 = arith.select %gt3A_840, %jit3A_917, %jit3A_918 : i32
      %add3A_920 = arith.addi %select_n3A_810, %select_n3A_919 : i32
      %select_n3A_921 = arith.select %lt3A_835, %add3A_920, %select_n3A_810 : i32
      %select_n3A_922 = arith.select %lt3A_835, %select_n3A_810, %select_n3A_811 : i32
      %select_n3A_923 = arith.select %gt3A_840, %squeeze3A_847, %squeeze3A_854 : f32
      %jit3A_924 = arith.constant 1 : i32
      %jit3A_925 = arith.constant 0 : i32
      %select_n3A_926 = arith.select %lt3A_835, %jit3A_924, %jit3A_925 : i32
      %add3A_927 = arith.addi %add3A_815, %select_n3A_926 : i32
      %lt3A_928 = arith.constant 2048 : i32
      %lt3A_929 = arith.cmpi slt, %select_n3A_921, %lt3A_928 : i32
      %gt3A_930 = arith.constant 1.510000e+00 : f32
      %gt3A_931 = arith.cmpf ogt, %select_n3A_923, %gt3A_930 : f32
      %select_n3A_932 = arith.select %gt3A_840, %squeeze3A_896, %squeeze3A_903 : f32
      %select_n3A_933 = arith.select %gt3A_840, %squeeze3A_903, %squeeze3A_910 : f32
      %select_n3A_934 = arith.select %gt3A_931, %select_n3A_932, %select_n3A_933 : f32
      %select_n3A_935 = arith.select %gt3A_840, %squeeze3A_875, %squeeze3A_882 : f32
      %select_n3A_936 = arith.select %gt3A_840, %squeeze3A_882, %squeeze3A_889 : f32
      %select_n3A_937 = arith.select %gt3A_931, %select_n3A_935, %select_n3A_936 : f32
      %jit3A_938 = arith.constant 0.333333343 : f32
      %jit3A_939 = arith.constant 0.0833333358 : f32
      %select_n3A_940 = arith.select %gt3A_931, %jit3A_938, %jit3A_939 : f32
      %sub3A_941 = arith.subf %select_n3A_934, %select_n3A_911 : f32
      %mul3A_942 = arith.mulf %sub3A_941, %select_n3A_940 : f32
      %jit3A_943 = arith.constant 3 : i32
      %jit3A_944 = arith.constant 12 : i32
      %select_n3A_945 = arith.select %gt3A_931, %jit3A_943, %jit3A_944 : i32
      %add3A_946 = arith.addi %select_n3A_921, %select_n3A_945 : i32
      %select_n3A_947 = arith.select %lt3A_929, %add3A_946, %select_n3A_921 : i32
      %select_n3A_948 = arith.select %lt3A_929, %select_n3A_921, %select_n3A_922 : i32
      %jit3A_949 = arith.constant 1 : i32
      %jit3A_950 = arith.constant 0 : i32
      %select_n3A_951 = arith.select %lt3A_929, %jit3A_949, %jit3A_950 : i32
      %add3A_952 = arith.addi %add3A_927, %select_n3A_951 : i32
      %mul3A_953 = vector.broadcast %select_n3A_838 : f32 to vector<16xf32>
      %mul3A_954 = arith.mulf %convert_element_type3A_60, %mul3A_953 : vector<16xf32>
      %sub3A_955 = arith.constant 1.000000e+00 : f32
      %sub3A_956 = arith.subf %sub3A_955, %select_n3A_838 : f32
      %mul3A_957 = vector.broadcast %sub3A_956 : f32 to vector<16xf32>
      %mul3A_958 = arith.mulf %convert_element_type3A, %mul3A_957 : vector<16xf32>
      %add3A_959 = arith.addf %mul3A_954, %mul3A_958 : vector<16xf32>
      %mul3A_960 = vector.broadcast %mul3A_916 : f32 to vector<16xf32>
      %mul3A_961 = arith.mulf %convert_element_type3A, %mul3A_960 : vector<16xf32>
      %mul3A_962 = vector.broadcast %mul3A_942 : f32 to vector<16xf32>
      %mul3A_963 = arith.mulf %add3A_959, %mul3A_962 : vector<16xf32>
      %add3A_964 = arith.addf %mul3A_961, %mul3A_963 : vector<16xf32>
      %swap3A_965 = arith.index_cast %add3A_815 : i32 to index
      %swap3A_966 = tpu.vector_load %arg8[%swap3A_965] {strides = array<i32>} : memref<704xf32, #tpu.memory_space<vmem>>, vector<16xf32>,
      %swap3A_967 = vector.shape_cast %swap3A_966 : vector<16xf32> to vector<16xf32>
      %swap3A_968 = vector.shape_cast %add3A_964 : vector<16xf32> to vector<16xf32>
      tpu.vector_store %arg8[%swap3A_965], %swap3A_968 {strides = array<i32>} : memref<704xf32, #tpu.memory_space<vmem>>, vector<16xf32>,
      scf.yield %select_n3A_947, %add3A_952, %select_n3A_948, %select_n3A_937, %select_n3A_934 : i32, i32, i32, f32, f32
    }
    %scan3A_71 = arith.constant 340 : i32
    %scan3A_72 = arith.addi %scan3A_66, %scan3A_71 : i32
    %lt3A = arith.constant 2048 : i32
    %lt3A_73 = arith.cmpi slt, %scan3A_70#0, %lt3A : i32
    %jit3A = arith.constant 1.000000e+00 : f32
    %jit3A_74 = arith.constant 0.000000e+00 : f32
    %select_n3A = arith.select %lt3A_73, %jit3A, %jit3A_74 : f32
    %gt3A = arith.constant 1.510000e+00 : f32
    %gt3A_75 = arith.cmpf ogt, %scan3A_70#3, %gt3A : f32
    %add3A_76 = arith.constant 3 : i32
    %add3A_77 = arith.addi %scan3A_70#0, %add3A_76 : i32
    %get3A_78 = arith.index_cast %add3A_77 : i32 to index
    %get3A_79 = tpu.vector_load %arg6[%get3A_78] {strides = array<i32>} : memref<2112xf32, #tpu.memory_space<vmem>>, vector<16xf32>,
    %get3A_80 = vector.shape_cast %get3A_79 : vector<16xf32> to vector<16xf32>
    %slice3A_81 = vector.extract_strided_slice %get3A_80 {offsets = [0], sizes = [1], strides = [1]} : vector<16xf32> to vector<1xf32>
    %squeeze3A_82 = vector.extract %slice3A_81[0] : f32 from vector<1xf32>
    %add3A_83 = arith.constant 12 : i32
    %add3A_84 = arith.addi %scan3A_70#0, %add3A_83 : i32
    %get3A_85 = arith.index_cast %add3A_84 : i32 to index
    %get3A_86 = tpu.vector_load %arg6[%get3A_85] {strides = array<i32>} : memref<2112xf32, #tpu.memory_space<vmem>>, vector<16xf32>,
    %get3A_87 = vector.shape_cast %get3A_86 : vector<16xf32> to vector<16xf32>
    %slice3A_88 = vector.extract_strided_slice %get3A_87 {offsets = [0], sizes = [1], strides = [1]} : vector<16xf32> to vector<1xf32>
    %squeeze3A_89 = vector.extract %slice3A_88[0] : f32 from vector<1xf32>
    %add3A_90 = arith.constant 3 : i32
    %add3A_91 = arith.addi %scan3A_70#0, %add3A_90 : i32
    %get3A_92 = arith.index_cast %add3A_91 : i32 to index
    %get3A_93 = tpu.vector_load %arg7[%get3A_92] {strides = array<i32>} : memref<2112xf32, #tpu.memory_space<vmem>>, vector<16xf32>,
    %get3A_94 = vector.shape_cast %get3A_93 : vector<16xf32> to vector<16xf32>
    %slice3A_95 = vector.extract_strided_slice %get3A_94 {offsets = [0], sizes = [1], strides = [1]} : vector<16xf32> to vector<1xf32>
    %squeeze3A_96 = vector.extract %slice3A_95[0] : f32 from vector<1xf32>
    %add3A_97 = arith.constant 12 : i32
    %add3A_98 = arith.addi %scan3A_70#0, %add3A_97 : i32
    %get3A_99 = arith.index_cast %add3A_98 : i32 to index
    %get3A_100 = tpu.vector_load %arg7[%get3A_99] {strides = array<i32>} : memref<2112xf32, #tpu.memory_space<vmem>>, vector<16xf32>,
    %get3A_101 = vector.shape_cast %get3A_100 : vector<16xf32> to vector<16xf32>
    %slice3A_102 = vector.extract_strided_slice %get3A_101 {offsets = [0], sizes = [1], strides = [1]} : vector<16xf32> to vector<1xf32>
    %squeeze3A_103 = vector.extract %slice3A_102[0] : f32 from vector<1xf32>
    %add3A_104 = arith.constant 6 : i32
    %add3A_105 = arith.addi %scan3A_70#0, %add3A_104 : i32
    %get3A_106 = arith.index_cast %add3A_105 : i32 to index
    %get3A_107 = tpu.vector_load %arg6[%get3A_106] {strides = array<i32>} : memref<2112xf32, #tpu.memory_space<vmem>>, vector<16xf32>,
    %get3A_108 = vector.shape_cast %get3A_107 : vector<16xf32> to vector<16xf32>
    %slice3A_109 = vector.extract_strided_slice %get3A_108 {offsets = [0], sizes = [1], strides = [1]} : vector<16xf32> to vector<1xf32>
    %squeeze3A_110 = vector.extract %slice3A_109[0] : f32 from vector<1xf32>
    %add3A_111 = arith.constant 15 : i32
    %add3A_112 = arith.addi %scan3A_70#0, %add3A_111 : i32
    %get3A_113 = arith.index_cast %add3A_112 : i32 to index
    %get3A_114 = tpu.vector_load %arg6[%get3A_113] {strides = array<i32>} : memref<2112xf32, #tpu.memory_space<vmem>>, vector<16xf32>,
    %get3A_115 = vector.shape_cast %get3A_114 : vector<16xf32> to vector<16xf32>
    %slice3A_116 = vector.extract_strided_slice %get3A_115 {offsets = [0], sizes = [1], strides = [1]} : vector<16xf32> to vector<1xf32>
    %squeeze3A_117 = vector.extract %slice3A_116[0] : f32 from vector<1xf32>
    %add3A_118 = arith.constant 24 : i32
    %add3A_119 = arith.addi %scan3A_70#0, %add3A_118 : i32
    %get3A_120 = arith.index_cast %add3A_119 : i32 to index
    %get3A_121 = tpu.vector_load %arg6[%get3A_120] {strides = array<i32>} : memref<2112xf32, #tpu.memory_space<vmem>>, vector<16xf32>,
    %get3A_122 = vector.shape_cast %get3A_121 : vector<16xf32> to vector<16xf32>
    %slice3A_123 = vector.extract_strided_slice %get3A_122 {offsets = [0], sizes = [1], strides = [1]} : vector<16xf32> to vector<1xf32>
    %squeeze3A_124 = vector.extract %slice3A_123[0] : f32 from vector<1xf32>
    %add3A_125 = arith.constant 6 : i32
    %add3A_126 = arith.addi %scan3A_70#0, %add3A_125 : i32
    %get3A_127 = arith.index_cast %add3A_126 : i32 to index
    %get3A_128 = tpu.vector_load %arg7[%get3A_127] {strides = array<i32>} : memref<2112xf32, #tpu.memory_space<vmem>>, vector<16xf32>,
    %get3A_129 = vector.shape_cast %get3A_128 : vector<16xf32> to vector<16xf32>
    %slice3A_130 = vector.extract_strided_slice %get3A_129 {offsets = [0], sizes = [1], strides = [1]} : vector<16xf32> to vector<1xf32>
    %squeeze3A_131 = vector.extract %slice3A_130[0] : f32 from vector<1xf32>
    %add3A_132 = arith.constant 15 : i32
    %add3A_133 = arith.addi %scan3A_70#0, %add3A_132 : i32
    %get3A_134 = arith.index_cast %add3A_133 : i32 to index
    %get3A_135 = tpu.vector_load %arg7[%get3A_134] {strides = array<i32>} : memref<2112xf32, #tpu.memory_space<vmem>>, vector<16xf32>,
    %get3A_136 = vector.shape_cast %get3A_135 : vector<16xf32> to vector<16xf32>
    %slice3A_137 = vector.extract_strided_slice %get3A_136 {offsets = [0], sizes = [1], strides = [1]} : vector<16xf32> to vector<1xf32>
    %squeeze3A_138 = vector.extract %slice3A_137[0] : f32 from vector<1xf32>
    %add3A_139 = arith.constant 24 : i32
    %add3A_140 = arith.addi %scan3A_70#0, %add3A_139 : i32
    %get3A_141 = arith.index_cast %add3A_140 : i32 to index
    %get3A_142 = tpu.vector_load %arg7[%get3A_141] {strides = array<i32>} : memref<2112xf32, #tpu.memory_space<vmem>>, vector<16xf32>,
    %get3A_143 = vector.shape_cast %get3A_142 : vector<16xf32> to vector<16xf32>
    %slice3A_144 = vector.extract_strided_slice %get3A_143 {offsets = [0], sizes = [1], strides = [1]} : vector<16xf32> to vector<1xf32>
    %squeeze3A_145 = vector.extract %slice3A_144[0] : f32 from vector<1xf32>
    %select_n3A_146 = arith.select %gt3A_75, %squeeze3A_96, %squeeze3A_103 : f32
    %jit3A_147 = arith.constant 0.333333343 : f32
    %jit3A_148 = arith.constant 0.0833333358 : f32
    %select_n3A_149 = arith.select %gt3A_75, %jit3A_147, %jit3A_148 : f32
    %sub3A_150 = arith.subf %select_n3A_146, %scan3A_70#4 : f32
    %mul3A_151 = arith.mulf %sub3A_150, %select_n3A_149 : f32
    %jit3A_152 = arith.constant 3 : i32
    %jit3A_153 = arith.constant 12 : i32
    %select_n3A_154 = arith.select %gt3A_75, %jit3A_152, %jit3A_153 : i32
    %add3A_155 = arith.addi %scan3A_70#0, %select_n3A_154 : i32
    %select_n3A_156 = arith.select %lt3A_73, %add3A_155, %scan3A_70#0 : i32
    %select_n3A_157 = arith.select %lt3A_73, %scan3A_70#0, %scan3A_70#2 : i32
    %select_n3A_158 = arith.select %gt3A_75, %squeeze3A_82, %squeeze3A_89 : f32
    %jit3A_159 = arith.constant 1 : i32
    %jit3A_160 = arith.constant 0 : i32
    %select_n3A_161 = arith.select %lt3A_73, %jit3A_159, %jit3A_160 : i32
    %add3A_162 = arith.addi %scan3A_70#1, %select_n3A_161 : i32
    %lt3A_163 = arith.constant 2048 : i32
    %lt3A_164 = arith.cmpi slt, %select_n3A_156, %lt3A_163 : i32
    %gt3A_165 = arith.constant 1.510000e+00 : f32
    %gt3A_166 = arith.cmpf ogt, %select_n3A_158, %gt3A_165 : f32
    %select_n3A_167 = arith.select %gt3A_75, %squeeze3A_131, %squeeze3A_138 : f32
    %select_n3A_168 = arith.select %gt3A_75, %squeeze3A_138, %squeeze3A_145 : f32
    %select_n3A_169 = arith.select %gt3A_166, %select_n3A_167, %select_n3A_168 : f32
    %select_n3A_170 = arith.select %gt3A_75, %squeeze3A_110, %squeeze3A_117 : f32
    %select_n3A_171 = arith.select %gt3A_75, %squeeze3A_117, %squeeze3A_124 : f32
    %select_n3A_172 = arith.select %gt3A_166, %select_n3A_170, %select_n3A_171 : f32
    %jit3A_173 = arith.constant 0.333333343 : f32
    %jit3A_174 = arith.constant 0.0833333358 : f32
    %select_n3A_175 = arith.select %gt3A_166, %jit3A_173, %jit3A_174 : f32
    %sub3A_176 = arith.subf %select_n3A_169, %select_n3A_146 : f32
    %mul3A_177 = arith.mulf %sub3A_176, %select_n3A_175 : f32
    %jit3A_178 = arith.constant 3 : i32
    %jit3A_179 = arith.constant 12 : i32
    %select_n3A_180 = arith.select %gt3A_166, %jit3A_178, %jit3A_179 : i32
    %add3A_181 = arith.addi %select_n3A_156, %select_n3A_180 : i32
    %select_n3A_182 = arith.select %lt3A_164, %add3A_181, %select_n3A_156 : i32
    %select_n3A_183 = arith.select %lt3A_164, %select_n3A_156, %select_n3A_157 : i32
    %jit3A_184 = arith.constant 1 : i32
    %jit3A_185 = arith.constant 0 : i32
    %select_n3A_186 = arith.select %lt3A_164, %jit3A_184, %jit3A_185 : i32
    %add3A_187 = arith.addi %add3A_162, %select_n3A_186 : i32
    %mul3A_188 = vector.broadcast %select_n3A : f32 to vector<16xf32>
    %mul3A_189 = arith.mulf %convert_element_type3A_60, %mul3A_188 : vector<16xf32>
    %sub3A_190 = arith.constant 1.000000e+00 : f32
    %sub3A_191 = arith.subf %sub3A_190, %select_n3A : f32
    %mul3A_192 = vector.broadcast %sub3A_191 : f32 to vector<16xf32>
    %mul3A_193 = arith.mulf %convert_element_type3A, %mul3A_192 : vector<16xf32>
    %add3A_194 = arith.addf %mul3A_189, %mul3A_193 : vector<16xf32>
    %mul3A_195 = vector.broadcast %mul3A_151 : f32 to vector<16xf32>
    %mul3A_196 = arith.mulf %convert_element_type3A, %mul3A_195 : vector<16xf32>
    %mul3A_197 = vector.broadcast %mul3A_177 : f32 to vector<16xf32>
    %mul3A_198 = arith.mulf %add3A_194, %mul3A_197 : vector<16xf32>
    %add3A_199 = arith.addf %mul3A_196, %mul3A_198 : vector<16xf32>
    %swap3A_200 = arith.index_cast %scan3A_70#1 : i32 to index
    %swap3A_201 = tpu.vector_load %arg8[%swap3A_200] {strides = array<i32>} : memref<704xf32, #tpu.memory_space<vmem>>, vector<16xf32>,
    %swap3A_202 = vector.shape_cast %swap3A_201 : vector<16xf32> to vector<16xf32>
    %swap3A_203 = vector.shape_cast %add3A_199 : vector<16xf32> to vector<16xf32>
    tpu.vector_store %arg8[%swap3A_200], %swap3A_203 {strides = array<i32>} : memref<704xf32, #tpu.memory_space<vmem>>, vector<16xf32>,
    %scan3A_204 = arith.constant 341 : i32
    %scan3A_205 = arith.addi %scan3A_66, %scan3A_204 : i32
    %lt3A_206 = arith.constant 2048 : i32
    %lt3A_207 = arith.cmpi slt, %select_n3A_182, %lt3A_206 : i32
    %jit3A_208 = arith.constant 1.000000e+00 : f32
    %jit3A_209 = arith.constant 0.000000e+00 : f32
    %select_n3A_210 = arith.select %lt3A_207, %jit3A_208, %jit3A_209 : f32
    %gt3A_211 = arith.constant 1.510000e+00 : f32
    %gt3A_212 = arith.cmpf ogt, %select_n3A_172, %gt3A_211 : f32
    %add3A_213 = arith.constant 3 : i32
    %add3A_214 = arith.addi %select_n3A_182, %add3A_213 : i32
    %get3A_215 = arith.index_cast %add3A_214 : i32 to index
    %get3A_216 = tpu.vector_load %arg6[%get3A_215] {strides = array<i32>} : memref<2112xf32, #tpu.memory_space<vmem>>, vector<16xf32>,
    %get3A_217 = vector.shape_cast %get3A_216 : vector<16xf32> to vector<16xf32>
    %slice3A_218 = vector.extract_strided_slice %get3A_217 {offsets = [0], sizes = [1], strides = [1]} : vector<16xf32> to vector<1xf32>
    %squeeze3A_219 = vector.extract %slice3A_218[0] : f32 from vector<1xf32>
    %add3A_220 = arith.constant 12 : i32
    %add3A_221 = arith.addi %select_n3A_182, %add3A_220 : i32
    %get3A_222 = arith.index_cast %add3A_221 : i32 to index
    %get3A_223 = tpu.vector_load %arg6[%get3A_222] {strides = array<i32>} : memref<2112xf32, #tpu.memory_space<vmem>>, vector<16xf32>,
    %get3A_224 = vector.shape_cast %get3A_223 : vector<16xf32> to vector<16xf32>
    %slice3A_225 = vector.extract_strided_slice %get3A_224 {offsets = [0], sizes = [1], strides = [1]} : vector<16xf32> to vector<1xf32>
    %squeeze3A_226 = vector.extract %slice3A_225[0] : f32 from vector<1xf32>
    %add3A_227 = arith.constant 3 : i32
    %add3A_228 = arith.addi %select_n3A_182, %add3A_227 : i32
    %get3A_229 = arith.index_cast %add3A_228 : i32 to index
    %get3A_230 = tpu.vector_load %arg7[%get3A_229] {strides = array<i32>} : memref<2112xf32, #tpu.memory_space<vmem>>, vector<16xf32>,
    %get3A_231 = vector.shape_cast %get3A_230 : vector<16xf32> to vector<16xf32>
    %slice3A_232 = vector.extract_strided_slice %get3A_231 {offsets = [0], sizes = [1], strides = [1]} : vector<16xf32> to vector<1xf32>
    %squeeze3A_233 = vector.extract %slice3A_232[0] : f32 from vector<1xf32>
    %add3A_234 = arith.constant 12 : i32
    %add3A_235 = arith.addi %select_n3A_182, %add3A_234 : i32
    %get3A_236 = arith.index_cast %add3A_235 : i32 to index
    %get3A_237 = tpu.vector_load %arg7[%get3A_236] {strides = array<i32>} : memref<2112xf32, #tpu.memory_space<vmem>>, vector<16xf32>,
    %get3A_238 = vector.shape_cast %get3A_237 : vector<16xf32> to vector<16xf32>
    %slice3A_239 = vector.extract_strided_slice %get3A_238 {offsets = [0], sizes = [1], strides = [1]} : vector<16xf32> to vector<1xf32>
    %squeeze3A_240 = vector.extract %slice3A_239[0] : f32 from vector<1xf32>
    %add3A_241 = arith.constant 6 : i32
    %add3A_242 = arith.addi %select_n3A_182, %add3A_241 : i32
    %get3A_243 = arith.index_cast %add3A_242 : i32 to index
    %get3A_244 = tpu.vector_load %arg6[%get3A_243] {strides = array<i32>} : memref<2112xf32, #tpu.memory_space<vmem>>, vector<16xf32>,
    %get3A_245 = vector.shape_cast %get3A_244 : vector<16xf32> to vector<16xf32>
    %slice3A_246 = vector.extract_strided_slice %get3A_245 {offsets = [0], sizes = [1], strides = [1]} : vector<16xf32> to vector<1xf32>
    %squeeze3A_247 = vector.extract %slice3A_246[0] : f32 from vector<1xf32>
    %add3A_248 = arith.constant 15 : i32
    %add3A_249 = arith.addi %select_n3A_182, %add3A_248 : i32
    %get3A_250 = arith.index_cast %add3A_249 : i32 to index
    %get3A_251 = tpu.vector_load %arg6[%get3A_250] {strides = array<i32>} : memref<2112xf32, #tpu.memory_space<vmem>>, vector<16xf32>,
    %get3A_252 = vector.shape_cast %get3A_251 : vector<16xf32> to vector<16xf32>
    %slice3A_253 = vector.extract_strided_slice %get3A_252 {offsets = [0], sizes = [1], strides = [1]} : vector<16xf32> to vector<1xf32>
    %squeeze3A_254 = vector.extract %slice3A_253[0] : f32 from vector<1xf32>
    %add3A_255 = arith.constant 24 : i32
    %add3A_256 = arith.addi %select_n3A_182, %add3A_255 : i32
    %get3A_257 = arith.index_cast %add3A_256 : i32 to index
    %get3A_258 = tpu.vector_load %arg6[%get3A_257] {strides = array<i32>} : memref<2112xf32, #tpu.memory_space<vmem>>, vector<16xf32>,
    %get3A_259 = vector.shape_cast %get3A_258 : vector<16xf32> to vector<16xf32>
    %slice3A_260 = vector.extract_strided_slice %get3A_259 {offsets = [0], sizes = [1], strides = [1]} : vector<16xf32> to vector<1xf32>
    %squeeze3A_261 = vector.extract %slice3A_260[0] : f32 from vector<1xf32>
    %add3A_262 = arith.constant 6 : i32
    %add3A_263 = arith.addi %select_n3A_182, %add3A_262 : i32
    %get3A_264 = arith.index_cast %add3A_263 : i32 to index
    %get3A_265 = tpu.vector_load %arg7[%get3A_264] {strides = array<i32>} : memref<2112xf32, #tpu.memory_space<vmem>>, vector<16xf32>,
    %get3A_266 = vector.shape_cast %get3A_265 : vector<16xf32> to vector<16xf32>
    %slice3A_267 = vector.extract_strided_slice %get3A_266 {offsets = [0], sizes = [1], strides = [1]} : vector<16xf32> to vector<1xf32>
    %squeeze3A_268 = vector.extract %slice3A_267[0] : f32 from vector<1xf32>
    %add3A_269 = arith.constant 15 : i32
    %add3A_270 = arith.addi %select_n3A_182, %add3A_269 : i32
    %get3A_271 = arith.index_cast %add3A_270 : i32 to index
    %get3A_272 = tpu.vector_load %arg7[%get3A_271] {strides = array<i32>} : memref<2112xf32, #tpu.memory_space<vmem>>, vector<16xf32>,
    %get3A_273 = vector.shape_cast %get3A_272 : vector<16xf32> to vector<16xf32>
    %slice3A_274 = vector.extract_strided_slice %get3A_273 {offsets = [0], sizes = [1], strides = [1]} : vector<16xf32> to vector<1xf32>
    %squeeze3A_275 = vector.extract %slice3A_274[0] : f32 from vector<1xf32>
    %add3A_276 = arith.constant 24 : i32
    %add3A_277 = arith.addi %select_n3A_182, %add3A_276 : i32
    %get3A_278 = arith.index_cast %add3A_277 : i32 to index
    %get3A_279 = tpu.vector_load %arg7[%get3A_278] {strides = array<i32>} : memref<2112xf32, #tpu.memory_space<vmem>>, vector<16xf32>,
    %get3A_280 = vector.shape_cast %get3A_279 : vector<16xf32> to vector<16xf32>
    %slice3A_281 = vector.extract_strided_slice %get3A_280 {offsets = [0], sizes = [1], strides = [1]} : vector<16xf32> to vector<1xf32>
    %squeeze3A_282 = vector.extract %slice3A_281[0] : f32 from vector<1xf32>
    %select_n3A_283 = arith.select %gt3A_212, %squeeze3A_233, %squeeze3A_240 : f32
    %jit3A_284 = arith.constant 0.333333343 : f32
    %jit3A_285 = arith.constant 0.0833333358 : f32
    %select_n3A_286 = arith.select %gt3A_212, %jit3A_284, %jit3A_285 : f32
    %sub3A_287 = arith.subf %select_n3A_283, %select_n3A_169 : f32
    %mul3A_288 = arith.mulf %sub3A_287, %select_n3A_286 : f32
    %jit3A_289 = arith.constant 3 : i32
    %jit3A_290 = arith.constant 12 : i32
    %select_n3A_291 = arith.select %gt3A_212, %jit3A_289, %jit3A_290 : i32
    %add3A_292 = arith.addi %select_n3A_182, %select_n3A_291 : i32
    %select_n3A_293 = arith.select %lt3A_207, %add3A_292, %select_n3A_182 : i32
    %select_n3A_294 = arith.select %lt3A_207, %select_n3A_182, %select_n3A_183 : i32
    %select_n3A_295 = arith.select %gt3A_212, %squeeze3A_219, %squeeze3A_226 : f32
    %jit3A_296 = arith.constant 1 : i32
    %jit3A_297 = arith.constant 0 : i32
    %select_n3A_298 = arith.select %lt3A_207, %jit3A_296, %jit3A_297 : i32
    %add3A_299 = arith.addi %add3A_187, %select_n3A_298 : i32
    %lt3A_300 = arith.constant 2048 : i32
    %lt3A_301 = arith.cmpi slt, %select_n3A_293, %lt3A_300 : i32
    %gt3A_302 = arith.constant 1.510000e+00 : f32
    %gt3A_303 = arith.cmpf ogt, %select_n3A_295, %gt3A_302 : f32
    %select_n3A_304 = arith.select %gt3A_212, %squeeze3A_268, %squeeze3A_275 : f32
    %select_n3A_305 = arith.select %gt3A_212, %squeeze3A_275, %squeeze3A_282 : f32
    %select_n3A_306 = arith.select %gt3A_303, %select_n3A_304, %select_n3A_305 : f32
    %select_n3A_307 = arith.select %gt3A_212, %squeeze3A_247, %squeeze3A_254 : f32
    %select_n3A_308 = arith.select %gt3A_212, %squeeze3A_254, %squeeze3A_261 : f32
    %select_n3A_309 = arith.select %gt3A_303, %select_n3A_307, %select_n3A_308 : f32
    %jit3A_310 = arith.constant 0.333333343 : f32
    %jit3A_311 = arith.constant 0.0833333358 : f32
    %select_n3A_312 = arith.select %gt3A_303, %jit3A_310, %jit3A_311 : f32
    %sub3A_313 = arith.subf %select_n3A_306, %select_n3A_283 : f32
    %mul3A_314 = arith.mulf %sub3A_313, %select_n3A_312 : f32
    %jit3A_315 = arith.constant 3 : i32
    %jit3A_316 = arith.constant 12 : i32
    %select_n3A_317 = arith.select %gt3A_303, %jit3A_315, %jit3A_316 : i32
    %add3A_318 = arith.addi %select_n3A_293, %select_n3A_317 : i32
    %select_n3A_319 = arith.select %lt3A_301, %add3A_318, %select_n3A_293 : i32
    %select_n3A_320 = arith.select %lt3A_301, %select_n3A_293, %select_n3A_294 : i32
    %jit3A_321 = arith.constant 1 : i32
    %jit3A_322 = arith.constant 0 : i32
    %select_n3A_323 = arith.select %lt3A_301, %jit3A_321, %jit3A_322 : i32
    %add3A_324 = arith.addi %add3A_299, %select_n3A_323 : i32
    %mul3A_325 = vector.broadcast %select_n3A_210 : f32 to vector<16xf32>
    %mul3A_326 = arith.mulf %convert_element_type3A_60, %mul3A_325 : vector<16xf32>
    %sub3A_327 = arith.constant 1.000000e+00 : f32
    %sub3A_328 = arith.subf %sub3A_327, %select_n3A_210 : f32
    %mul3A_329 = vector.broadcast %sub3A_328 : f32 to vector<16xf32>
    %mul3A_330 = arith.mulf %convert_element_type3A, %mul3A_329 : vector<16xf32>
    %add3A_331 = arith.addf %mul3A_326, %mul3A_330 : vector<16xf32>
    %mul3A_332 = vector.broadcast %mul3A_288 : f32 to vector<16xf32>
    %mul3A_333 = arith.mulf %convert_element_type3A, %mul3A_332 : vector<16xf32>
    %mul3A_334 = vector.broadcast %mul3A_314 : f32 to vector<16xf32>
    %mul3A_335 = arith.mulf %add3A_331, %mul3A_334 : vector<16xf32>
    %add3A_336 = arith.addf %mul3A_333, %mul3A_335 : vector<16xf32>
    %swap3A_337 = arith.index_cast %add3A_187 : i32 to index
    %swap3A_338 = tpu.vector_load %arg8[%swap3A_337] {strides = array<i32>} : memref<704xf32, #tpu.memory_space<vmem>>, vector<16xf32>,
    %swap3A_339 = vector.shape_cast %swap3A_338 : vector<16xf32> to vector<16xf32>
    %swap3A_340 = vector.shape_cast %add3A_336 : vector<16xf32> to vector<16xf32>
    tpu.vector_store %arg8[%swap3A_337], %swap3A_340 {strides = array<i32>} : memref<704xf32, #tpu.memory_space<vmem>>, vector<16xf32>,
    %scan3A_341 = arith.constant 342 : i32
    %get3A_342 = arith.constant 2048 : index
    %get3A_343 = tpu.vector_load %arg7[%get3A_342] {strides = array<i32>} : memref<2112xf32, #tpu.memory_space<vmem>>, vector<16xf32>,
    %get3A_344 = vector.shape_cast %get3A_343 : vector<16xf32> to vector<16xf32>
    %slice3A_345 = vector.extract_strided_slice %get3A_344 {offsets = [0], sizes = [1], strides = [1]} : vector<16xf32> to vector<1xf32>
    %squeeze3A_346 = vector.extract %slice3A_345[0] : f32 from vector<1xf32>
    %get3A_347 = arith.index_cast %select_n3A_320 : i32 to index
    %get3A_348 = tpu.vector_load %arg7[%get3A_347] {strides = array<i32>} : memref<2112xf32, #tpu.memory_space<vmem>>, vector<16xf32>,
    %get3A_349 = vector.shape_cast %get3A_348 : vector<16xf32> to vector<16xf32>
    %slice3A_350 = vector.extract_strided_slice %get3A_349 {offsets = [0], sizes = [1], strides = [1]} : vector<16xf32> to vector<1xf32>
    %squeeze3A_351 = vector.extract %slice3A_350[0] : f32 from vector<1xf32>
    %sub3A_352 = arith.constant 0 : i32
    %sub3A_353 = vector.broadcast %sub3A_352 : i32 to vector<16xi32>
    %sub3A_354 = arith.subi %iota3A, %sub3A_353 : vector<16xi32>
    %mul3A_355 = arith.muli %sub3A_354, %sub3A_354 : vector<16xi32>
    %min3A_356 = arith.constant 1 : i32
    %min3A_357 = vector.broadcast %min3A_356 : i32 to vector<16xi32>
    %min3A_358 = arith.minsi %mul3A_355, %min3A_357 : vector<16xi32>
    %sub3A_359 = arith.constant 1 : i32
    %sub3A_360 = vector.broadcast %sub3A_359 : i32 to vector<16xi32>
    %sub3A_361 = arith.subi %sub3A_360, %min3A_358 : vector<16xi32>
    %convert_element_type3A_362 = arith.sitofp %sub3A_361 : vector<16xi32> to vector<16xf32>
    %convert_element_type3A_363 = arith.sitofp %add3A_324 : i32 to f32
    %mul3A_364 = vector.broadcast %convert_element_type3A_363 : f32 to vector<16xf32>
    %mul3A_365 = arith.mulf %convert_element_type3A_362, %mul3A_364 : vector<16xf32>
    %sub3A_366 = arith.constant 1 : i32
    %sub3A_367 = vector.broadcast %sub3A_366 : i32 to vector<16xi32>
    %sub3A_368 = arith.subi %iota3A, %sub3A_367 : vector<16xi32>
    %mul3A_369 = arith.muli %sub3A_368, %sub3A_368 : vector<16xi32>
    %min3A_370 = arith.constant 1 : i32
    %min3A_371 = vector.broadcast %min3A_370 : i32 to vector<16xi32>
    %min3A_372 = arith.minsi %mul3A_369, %min3A_371 : vector<16xi32>
    %sub3A_373 = arith.constant 1 : i32
    %sub3A_374 = vector.broadcast %sub3A_373 : i32 to vector<16xi32>
    %sub3A_375 = arith.subi %sub3A_374, %min3A_372 : vector<16xi32>
    %convert_element_type3A_376 = arith.sitofp %sub3A_375 : vector<16xi32> to vector<16xf32>
    %convert_element_type3A_377 = arith.sitofp %select_n3A_320 : i32 to f32
    %mul3A_378 = vector.broadcast %convert_element_type3A_377 : f32 to vector<16xf32>
    %mul3A_379 = arith.mulf %convert_element_type3A_376, %mul3A_378 : vector<16xf32>
    %add3A_380 = arith.addf %mul3A_365, %mul3A_379 : vector<16xf32>
    %sub3A_381 = arith.constant 2 : i32
    %sub3A_382 = vector.broadcast %sub3A_381 : i32 to vector<16xi32>
    %sub3A_383 = arith.subi %iota3A, %sub3A_382 : vector<16xi32>
    %mul3A_384 = arith.muli %sub3A_383, %sub3A_383 : vector<16xi32>
    %min3A_385 = arith.constant 1 : i32
    %min3A_386 = vector.broadcast %min3A_385 : i32 to vector<16xi32>
    %min3A_387 = arith.minsi %mul3A_384, %min3A_386 : vector<16xi32>
    %sub3A_388 = arith.constant 1 : i32
    %sub3A_389 = vector.broadcast %sub3A_388 : i32 to vector<16xi32>
    %sub3A_390 = arith.subi %sub3A_389, %min3A_387 : vector<16xi32>
    %convert_element_type3A_391 = arith.sitofp %sub3A_390 : vector<16xi32> to vector<16xf32>
    %mul3A_392 = vector.broadcast %squeeze3A_346 : f32 to vector<16xf32>
    %mul3A_393 = arith.mulf %convert_element_type3A_391, %mul3A_392 : vector<16xf32>
    %add3A_394 = arith.addf %add3A_380, %mul3A_393 : vector<16xf32>
    %sub3A_395 = arith.constant 3 : i32
    %sub3A_396 = vector.broadcast %sub3A_395 : i32 to vector<16xi32>
    %sub3A_397 = arith.subi %iota3A, %sub3A_396 : vector<16xi32>
    %mul3A_398 = arith.muli %sub3A_397, %sub3A_397 : vector<16xi32>
    %min3A_399 = arith.constant 1 : i32
    %min3A_400 = vector.broadcast %min3A_399 : i32 to vector<16xi32>
    %min3A_401 = arith.minsi %mul3A_398, %min3A_400 : vector<16xi32>
    %sub3A_402 = arith.constant 1 : i32
    %sub3A_403 = vector.broadcast %sub3A_402 : i32 to vector<16xi32>
    %sub3A_404 = arith.subi %sub3A_403, %min3A_401 : vector<16xi32>
    %convert_element_type3A_405 = arith.sitofp %sub3A_404 : vector<16xi32> to vector<16xf32>
    %mul3A_406 = vector.broadcast %squeeze3A_351 : f32 to vector<16xf32>
    %mul3A_407 = arith.mulf %convert_element_type3A_405, %mul3A_406 : vector<16xf32>
    %add3A_408 = arith.addf %add3A_394, %mul3A_407 : vector<16xf32>
    %swap3A_409 = arith.constant 0 : index
    %swap3A_410 = tpu.vector_load %arg9[%swap3A_409] {strides = array<i32>} : memref<16xf32, #tpu.memory_space<vmem>>, vector<16xf32>,
    %swap3A_411 = vector.shape_cast %swap3A_410 : vector<16xf32> to vector<16xf32>
    %swap3A_412 = vector.shape_cast %add3A_408 : vector<16xf32> to vector<16xf32>
    tpu.vector_store %arg9[%swap3A_409], %swap3A_412 {strides = array<i32>} : memref<16xf32, #tpu.memory_space<vmem>>, vector<16xf32>,
    %lt3A_413 = arith.constant 8 : i32
    %lt3A_414 = arith.cmpi slt, %add3A, %lt3A_413 : i32
    %convert_element_type3A_415 = arith.extui %lt3A_414 : i1 to i32
    %cond3A = arith.constant 0 : i32
    %cond3A_416 = arith.cmpi ne, %convert_element_type3A_415, %cond3A : i32
    scf.if %cond3A_416 {
      "tpu.region"() ({
        %run_scoped3A = tpu.sem_alloc : memref<!tpu.dma_semaphore, #tpu.memory_space<semaphore_mem>>
        %dma_start3A_417 = arith.constant 0 : i32
        %dma_start3A_418 = tpu.memref_slice %arg4[%add3A, %dma_start3A_417] : memref<8x704xf32, #tpu.memory_space<hbm>> -> memref<1x704xf32, #tpu.memory_space<hbm>>
        %dma_start3A_419 = tpu.memref_squeeze %dma_start3A_418 : memref<1x704xf32, #tpu.memory_space<hbm>> -> memref<704xf32, #tpu.memory_space<hbm>>
        %dma_start3A_420 = arith.constant 0 : i32
        %dma_start3A_421 = tpu.memref_slice %arg4[%add3A, %dma_start3A_420] : memref<8x704xf32, #tpu.memory_space<hbm>> -> memref<1x704xf32, #tpu.memory_space<hbm>>
        %dma_start3A_422 = tpu.memref_squeeze %dma_start3A_421 : memref<1x704xf32, #tpu.memory_space<hbm>> -> memref<704xf32, #tpu.memory_space<hbm>>
        tpu.enqueue_dma source(%arg8 : memref<704xf32, #tpu.memory_space<vmem>>) target(%dma_start3A_422 : memref<704xf32, #tpu.memory_space<hbm>>) target_semaphore(%run_scoped3A : memref<!tpu.dma_semaphore, #tpu.memory_space<semaphore_mem>>)
        %dma_wait3A_423 = arith.constant 0 : i32
        %dma_wait3A_424 = tpu.memref_slice %arg4[%add3A, %dma_wait3A_423] : memref<8x704xf32, #tpu.memory_space<hbm>> -> memref<1x704xf32, #tpu.memory_space<hbm>>
        %dma_wait3A_425 = tpu.memref_squeeze %dma_wait3A_424 : memref<1x704xf32, #tpu.memory_space<hbm>> -> memref<704xf32, #tpu.memory_space<hbm>>
        %dma_wait3A_426 = arith.constant 0 : i32
        %dma_wait3A_427 = tpu.memref_slice %arg4[%add3A, %dma_wait3A_426] : memref<8x704xf32, #tpu.memory_space<hbm>> -> memref<1x704xf32, #tpu.memory_space<hbm>>
        %dma_wait3A_428 = tpu.memref_squeeze %dma_wait3A_427 : memref<1x704xf32, #tpu.memory_space<hbm>> -> memref<704xf32, #tpu.memory_space<hbm>>
        tpu.wait_dma2 semaphore(%run_scoped3A : memref<!tpu.dma_semaphore, #tpu.memory_space<semaphore_mem>>) src(%arg8 : memref<704xf32, #tpu.memory_space<vmem>>) dst(%dma_wait3A_428 : memref<704xf32, #tpu.memory_space<hbm>>)
        tpu.yield
      }) : () -> ()
      "tpu.region"() ({
        %run_scoped3A = tpu.sem_alloc : memref<!tpu.dma_semaphore, #tpu.memory_space<semaphore_mem>>
        %dma_start3A_417 = arith.constant 0 : i32
        %dma_start3A_418 = tpu.memref_slice %arg5[%add3A, %dma_start3A_417] : memref<8x16xf32, #tpu.memory_space<hbm>> -> memref<1x16xf32, #tpu.memory_space<hbm>>
        %dma_start3A_419 = tpu.memref_squeeze %dma_start3A_418 : memref<1x16xf32, #tpu.memory_space<hbm>> -> memref<16xf32, #tpu.memory_space<hbm>>
        %dma_start3A_420 = arith.constant 0 : i32
        %dma_start3A_421 = tpu.memref_slice %arg5[%add3A, %dma_start3A_420] : memref<8x16xf32, #tpu.memory_space<hbm>> -> memref<1x16xf32, #tpu.memory_space<hbm>>
        %dma_start3A_422 = tpu.memref_squeeze %dma_start3A_421 : memref<1x16xf32, #tpu.memory_space<hbm>> -> memref<16xf32, #tpu.memory_space<hbm>>
        tpu.enqueue_dma source(%arg9 : memref<16xf32, #tpu.memory_space<vmem>>) target(%dma_start3A_422 : memref<16xf32, #tpu.memory_space<hbm>>) target_semaphore(%run_scoped3A : memref<!tpu.dma_semaphore, #tpu.memory_space<semaphore_mem>>)
        %dma_wait3A_423 = arith.constant 0 : i32
        %dma_wait3A_424 = tpu.memref_slice %arg5[%add3A, %dma_wait3A_423] : memref<8x16xf32, #tpu.memory_space<hbm>> -> memref<1x16xf32, #tpu.memory_space<hbm>>
        %dma_wait3A_425 = tpu.memref_squeeze %dma_wait3A_424 : memref<1x16xf32, #tpu.memory_space<hbm>> -> memref<16xf32, #tpu.memory_space<hbm>>
        %dma_wait3A_426 = arith.constant 0 : i32
        %dma_wait3A_427 = tpu.memref_slice %arg5[%add3A, %dma_wait3A_426] : memref<8x16xf32, #tpu.memory_space<hbm>> -> memref<1x16xf32, #tpu.memory_space<hbm>>
        %dma_wait3A_428 = tpu.memref_squeeze %dma_wait3A_427 : memref<1x16xf32, #tpu.memory_space<hbm>> -> memref<16xf32, #tpu.memory_space<hbm>>
        tpu.wait_dma2 semaphore(%run_scoped3A : memref<!tpu.dma_semaphore, #tpu.memory_space<semaphore_mem>>) src(%arg9 : memref<16xf32, #tpu.memory_space<vmem>>) dst(%dma_wait3A_428 : memref<16xf32, #tpu.memory_space<hbm>>)
        tpu.yield
      }) : () -> ()
    } else {
    }
    return
  }
}

module attributes {stable_mosaic.version = 14 : i64} {
  func.func @_ent_body(%arg0: memref<8x2048xi32, #tpu.memory_space<vmem>>, %arg1: memref<8x2048xf32, #tpu.memory_space<vmem>>, %arg2: memref<8x2112xf32, #tpu.memory_space<vmem>>) attributes {dimension_semantics = [], scalar_prefetch = 0 : i64, scratch_operands = 0 : i64, tpu.core_type = #tpu.core_type<tc>} {
    %get3A = arith.constant 0 : index
    %get3A_0 = arith.constant 0 : index
    %get3A_1 = vector.load %arg0[%get3A, %get3A_0] : memref<8x2048xi32, #tpu.memory_space<vmem>>, vector<8x2048xi32>
    %broadcast_in_dim3A = arith.constant 0.000000e+00 : f32
    %broadcast_in_dim3A_2 = vector.broadcast %broadcast_in_dim3A : f32 to vector<8x4xf32>
    %eq3A = arith.constant 0 : i32
    %eq3A_3 = vector.broadcast %eq3A : i32 to vector<8x2048xi32>
    %eq3A_4 = arith.cmpi eq, %get3A_1, %eq3A_3 : vector<8x2048xi32>
    %convert_element_type3A = arith.extui %eq3A_4 : vector<8x2048xi1> to vector<8x2048xi32>
    %convert_element_type3A_5 = arith.sitofp %convert_element_type3A : vector<8x2048xi32> to vector<8x2048xf32>
    %concatenate3A = tpu.concatenate %broadcast_in_dim3A_2, %convert_element_type3A_5, %broadcast_in_dim3A_2 in 1 : vector<8x4xf32>, vector<8x2048xf32>, vector<8x4xf32> -> vector<8x2056xf32>
    %slice3A = vector.extract_strided_slice %concatenate3A {offsets = [0, 4], sizes = [8, 2048], strides = [1, 1]} : vector<8x2056xf32> to vector<8x2048xf32>
    %slice3A_6 = vector.extract_strided_slice %concatenate3A {offsets = [0, 0], sizes = [8, 2048], strides = [1, 1]} : vector<8x2056xf32> to vector<8x2048xf32>
    %add3A = arith.addf %slice3A, %slice3A_6 : vector<8x2048xf32>
    %slice3A_7 = vector.extract_strided_slice %concatenate3A {offsets = [0, 1], sizes = [8, 2048], strides = [1, 1]} : vector<8x2056xf32> to vector<8x2048xf32>
    %add3A_8 = arith.addf %add3A, %slice3A_7 : vector<8x2048xf32>
    %slice3A_9 = vector.extract_strided_slice %concatenate3A {offsets = [0, 2], sizes = [8, 2048], strides = [1, 1]} : vector<8x2056xf32> to vector<8x2048xf32>
    %add3A_10 = arith.addf %add3A_8, %slice3A_9 : vector<8x2048xf32>
    %slice3A_11 = vector.extract_strided_slice %concatenate3A {offsets = [0, 3], sizes = [8, 2048], strides = [1, 1]} : vector<8x2056xf32> to vector<8x2048xf32>
    %add3A_12 = arith.addf %add3A_10, %slice3A_11 : vector<8x2048xf32>
    %slice3A_13 = vector.extract_strided_slice %concatenate3A {offsets = [0, 5], sizes = [8, 2048], strides = [1, 1]} : vector<8x2056xf32> to vector<8x2048xf32>
    %add3A_14 = arith.addf %add3A_12, %slice3A_13 : vector<8x2048xf32>
    %slice3A_15 = vector.extract_strided_slice %concatenate3A {offsets = [0, 6], sizes = [8, 2048], strides = [1, 1]} : vector<8x2056xf32> to vector<8x2048xf32>
    %add3A_16 = arith.addf %add3A_14, %slice3A_15 : vector<8x2048xf32>
    %slice3A_17 = vector.extract_strided_slice %concatenate3A {offsets = [0, 7], sizes = [8, 2048], strides = [1, 1]} : vector<8x2056xf32> to vector<8x2048xf32>
    %add3A_18 = arith.addf %add3A_16, %slice3A_17 : vector<8x2048xf32>
    %slice3A_19 = vector.extract_strided_slice %concatenate3A {offsets = [0, 8], sizes = [8, 2048], strides = [1, 1]} : vector<8x2056xf32> to vector<8x2048xf32>
    %add3A_20 = arith.addf %add3A_18, %slice3A_19 : vector<8x2048xf32>
    %eq3A_21 = arith.constant 1 : i32
    %eq3A_22 = vector.broadcast %eq3A_21 : i32 to vector<8x2048xi32>
    %eq3A_23 = arith.cmpi eq, %get3A_1, %eq3A_22 : vector<8x2048xi32>
    %convert_element_type3A_24 = arith.extui %eq3A_23 : vector<8x2048xi1> to vector<8x2048xi32>
    %convert_element_type3A_25 = arith.sitofp %convert_element_type3A_24 : vector<8x2048xi32> to vector<8x2048xf32>
    %concatenate3A_26 = tpu.concatenate %broadcast_in_dim3A_2, %convert_element_type3A_25, %broadcast_in_dim3A_2 in 1 : vector<8x4xf32>, vector<8x2048xf32>, vector<8x4xf32> -> vector<8x2056xf32>
    %slice3A_27 = vector.extract_strided_slice %concatenate3A_26 {offsets = [0, 4], sizes = [8, 2048], strides = [1, 1]} : vector<8x2056xf32> to vector<8x2048xf32>
    %slice3A_28 = vector.extract_strided_slice %concatenate3A_26 {offsets = [0, 0], sizes = [8, 2048], strides = [1, 1]} : vector<8x2056xf32> to vector<8x2048xf32>
    %add3A_29 = arith.addf %slice3A_27, %slice3A_28 : vector<8x2048xf32>
    %slice3A_30 = vector.extract_strided_slice %concatenate3A_26 {offsets = [0, 1], sizes = [8, 2048], strides = [1, 1]} : vector<8x2056xf32> to vector<8x2048xf32>
    %add3A_31 = arith.addf %add3A_29, %slice3A_30 : vector<8x2048xf32>
    %slice3A_32 = vector.extract_strided_slice %concatenate3A_26 {offsets = [0, 2], sizes = [8, 2048], strides = [1, 1]} : vector<8x2056xf32> to vector<8x2048xf32>
    %add3A_33 = arith.addf %add3A_31, %slice3A_32 : vector<8x2048xf32>
    %slice3A_34 = vector.extract_strided_slice %concatenate3A_26 {offsets = [0, 3], sizes = [8, 2048], strides = [1, 1]} : vector<8x2056xf32> to vector<8x2048xf32>
    %add3A_35 = arith.addf %add3A_33, %slice3A_34 : vector<8x2048xf32>
    %slice3A_36 = vector.extract_strided_slice %concatenate3A_26 {offsets = [0, 5], sizes = [8, 2048], strides = [1, 1]} : vector<8x2056xf32> to vector<8x2048xf32>
    %add3A_37 = arith.addf %add3A_35, %slice3A_36 : vector<8x2048xf32>
    %slice3A_38 = vector.extract_strided_slice %concatenate3A_26 {offsets = [0, 6], sizes = [8, 2048], strides = [1, 1]} : vector<8x2056xf32> to vector<8x2048xf32>
    %add3A_39 = arith.addf %add3A_37, %slice3A_38 : vector<8x2048xf32>
    %slice3A_40 = vector.extract_strided_slice %concatenate3A_26 {offsets = [0, 7], sizes = [8, 2048], strides = [1, 1]} : vector<8x2056xf32> to vector<8x2048xf32>
    %add3A_41 = arith.addf %add3A_39, %slice3A_40 : vector<8x2048xf32>
    %slice3A_42 = vector.extract_strided_slice %concatenate3A_26 {offsets = [0, 8], sizes = [8, 2048], strides = [1, 1]} : vector<8x2056xf32> to vector<8x2048xf32>
    %add3A_43 = arith.addf %add3A_41, %slice3A_42 : vector<8x2048xf32>
    %eq3A_44 = arith.constant 2 : i32
    %eq3A_45 = vector.broadcast %eq3A_44 : i32 to vector<8x2048xi32>
    %eq3A_46 = arith.cmpi eq, %get3A_1, %eq3A_45 : vector<8x2048xi32>
    %convert_element_type3A_47 = arith.extui %eq3A_46 : vector<8x2048xi1> to vector<8x2048xi32>
    %convert_element_type3A_48 = arith.sitofp %convert_element_type3A_47 : vector<8x2048xi32> to vector<8x2048xf32>
    %concatenate3A_49 = tpu.concatenate %broadcast_in_dim3A_2, %convert_element_type3A_48, %broadcast_in_dim3A_2 in 1 : vector<8x4xf32>, vector<8x2048xf32>, vector<8x4xf32> -> vector<8x2056xf32>
    %slice3A_50 = vector.extract_strided_slice %concatenate3A_49 {offsets = [0, 4], sizes = [8, 2048], strides = [1, 1]} : vector<8x2056xf32> to vector<8x2048xf32>
    %slice3A_51 = vector.extract_strided_slice %concatenate3A_49 {offsets = [0, 0], sizes = [8, 2048], strides = [1, 1]} : vector<8x2056xf32> to vector<8x2048xf32>
    %add3A_52 = arith.addf %slice3A_50, %slice3A_51 : vector<8x2048xf32>
    %slice3A_53 = vector.extract_strided_slice %concatenate3A_49 {offsets = [0, 1], sizes = [8, 2048], strides = [1, 1]} : vector<8x2056xf32> to vector<8x2048xf32>
    %add3A_54 = arith.addf %add3A_52, %slice3A_53 : vector<8x2048xf32>
    %slice3A_55 = vector.extract_strided_slice %concatenate3A_49 {offsets = [0, 2], sizes = [8, 2048], strides = [1, 1]} : vector<8x2056xf32> to vector<8x2048xf32>
    %add3A_56 = arith.addf %add3A_54, %slice3A_55 : vector<8x2048xf32>
    %slice3A_57 = vector.extract_strided_slice %concatenate3A_49 {offsets = [0, 3], sizes = [8, 2048], strides = [1, 1]} : vector<8x2056xf32> to vector<8x2048xf32>
    %add3A_58 = arith.addf %add3A_56, %slice3A_57 : vector<8x2048xf32>
    %slice3A_59 = vector.extract_strided_slice %concatenate3A_49 {offsets = [0, 5], sizes = [8, 2048], strides = [1, 1]} : vector<8x2056xf32> to vector<8x2048xf32>
    %add3A_60 = arith.addf %add3A_58, %slice3A_59 : vector<8x2048xf32>
    %slice3A_61 = vector.extract_strided_slice %concatenate3A_49 {offsets = [0, 6], sizes = [8, 2048], strides = [1, 1]} : vector<8x2056xf32> to vector<8x2048xf32>
    %add3A_62 = arith.addf %add3A_60, %slice3A_61 : vector<8x2048xf32>
    %slice3A_63 = vector.extract_strided_slice %concatenate3A_49 {offsets = [0, 7], sizes = [8, 2048], strides = [1, 1]} : vector<8x2056xf32> to vector<8x2048xf32>
    %add3A_64 = arith.addf %add3A_62, %slice3A_63 : vector<8x2048xf32>
    %slice3A_65 = vector.extract_strided_slice %concatenate3A_49 {offsets = [0, 8], sizes = [8, 2048], strides = [1, 1]} : vector<8x2056xf32> to vector<8x2048xf32>
    %add3A_66 = arith.addf %add3A_64, %slice3A_65 : vector<8x2048xf32>
    %eq3A_67 = arith.constant 3 : i32
    %eq3A_68 = vector.broadcast %eq3A_67 : i32 to vector<8x2048xi32>
    %eq3A_69 = arith.cmpi eq, %get3A_1, %eq3A_68 : vector<8x2048xi32>
    %convert_element_type3A_70 = arith.extui %eq3A_69 : vector<8x2048xi1> to vector<8x2048xi32>
    %convert_element_type3A_71 = arith.sitofp %convert_element_type3A_70 : vector<8x2048xi32> to vector<8x2048xf32>
    %concatenate3A_72 = tpu.concatenate %broadcast_in_dim3A_2, %convert_element_type3A_71, %broadcast_in_dim3A_2 in 1 : vector<8x4xf32>, vector<8x2048xf32>, vector<8x4xf32> -> vector<8x2056xf32>
    %slice3A_73 = vector.extract_strided_slice %concatenate3A_72 {offsets = [0, 4], sizes = [8, 2048], strides = [1, 1]} : vector<8x2056xf32> to vector<8x2048xf32>
    %slice3A_74 = vector.extract_strided_slice %concatenate3A_72 {offsets = [0, 0], sizes = [8, 2048], strides = [1, 1]} : vector<8x2056xf32> to vector<8x2048xf32>
    %add3A_75 = arith.addf %slice3A_73, %slice3A_74 : vector<8x2048xf32>
    %slice3A_76 = vector.extract_strided_slice %concatenate3A_72 {offsets = [0, 1], sizes = [8, 2048], strides = [1, 1]} : vector<8x2056xf32> to vector<8x2048xf32>
    %add3A_77 = arith.addf %add3A_75, %slice3A_76 : vector<8x2048xf32>
    %slice3A_78 = vector.extract_strided_slice %concatenate3A_72 {offsets = [0, 2], sizes = [8, 2048], strides = [1, 1]} : vector<8x2056xf32> to vector<8x2048xf32>
    %add3A_79 = arith.addf %add3A_77, %slice3A_78 : vector<8x2048xf32>
    %slice3A_80 = vector.extract_strided_slice %concatenate3A_72 {offsets = [0, 3], sizes = [8, 2048], strides = [1, 1]} : vector<8x2056xf32> to vector<8x2048xf32>
    %add3A_81 = arith.addf %add3A_79, %slice3A_80 : vector<8x2048xf32>
    %slice3A_82 = vector.extract_strided_slice %concatenate3A_72 {offsets = [0, 5], sizes = [8, 2048], strides = [1, 1]} : vector<8x2056xf32> to vector<8x2048xf32>
    %add3A_83 = arith.addf %add3A_81, %slice3A_82 : vector<8x2048xf32>
    %slice3A_84 = vector.extract_strided_slice %concatenate3A_72 {offsets = [0, 6], sizes = [8, 2048], strides = [1, 1]} : vector<8x2056xf32> to vector<8x2048xf32>
    %add3A_85 = arith.addf %add3A_83, %slice3A_84 : vector<8x2048xf32>
    %slice3A_86 = vector.extract_strided_slice %concatenate3A_72 {offsets = [0, 7], sizes = [8, 2048], strides = [1, 1]} : vector<8x2056xf32> to vector<8x2048xf32>
    %add3A_87 = arith.addf %add3A_85, %slice3A_86 : vector<8x2048xf32>
    %slice3A_88 = vector.extract_strided_slice %concatenate3A_72 {offsets = [0, 8], sizes = [8, 2048], strides = [1, 1]} : vector<8x2056xf32> to vector<8x2048xf32>
    %add3A_89 = arith.addf %add3A_87, %slice3A_88 : vector<8x2048xf32>
    %eq3A_90 = arith.constant 4 : i32
    %eq3A_91 = vector.broadcast %eq3A_90 : i32 to vector<8x2048xi32>
    %eq3A_92 = arith.cmpi eq, %get3A_1, %eq3A_91 : vector<8x2048xi32>
    %convert_element_type3A_93 = arith.extui %eq3A_92 : vector<8x2048xi1> to vector<8x2048xi32>
    %convert_element_type3A_94 = arith.sitofp %convert_element_type3A_93 : vector<8x2048xi32> to vector<8x2048xf32>
    %concatenate3A_95 = tpu.concatenate %broadcast_in_dim3A_2, %convert_element_type3A_94, %broadcast_in_dim3A_2 in 1 : vector<8x4xf32>, vector<8x2048xf32>, vector<8x4xf32> -> vector<8x2056xf32>
    %slice3A_96 = vector.extract_strided_slice %concatenate3A_95 {offsets = [0, 4], sizes = [8, 2048], strides = [1, 1]} : vector<8x2056xf32> to vector<8x2048xf32>
    %slice3A_97 = vector.extract_strided_slice %concatenate3A_95 {offsets = [0, 0], sizes = [8, 2048], strides = [1, 1]} : vector<8x2056xf32> to vector<8x2048xf32>
    %add3A_98 = arith.addf %slice3A_96, %slice3A_97 : vector<8x2048xf32>
    %slice3A_99 = vector.extract_strided_slice %concatenate3A_95 {offsets = [0, 1], sizes = [8, 2048], strides = [1, 1]} : vector<8x2056xf32> to vector<8x2048xf32>
    %add3A_100 = arith.addf %add3A_98, %slice3A_99 : vector<8x2048xf32>
    %slice3A_101 = vector.extract_strided_slice %concatenate3A_95 {offsets = [0, 2], sizes = [8, 2048], strides = [1, 1]} : vector<8x2056xf32> to vector<8x2048xf32>
    %add3A_102 = arith.addf %add3A_100, %slice3A_101 : vector<8x2048xf32>
    %slice3A_103 = vector.extract_strided_slice %concatenate3A_95 {offsets = [0, 3], sizes = [8, 2048], strides = [1, 1]} : vector<8x2056xf32> to vector<8x2048xf32>
    %add3A_104 = arith.addf %add3A_102, %slice3A_103 : vector<8x2048xf32>
    %slice3A_105 = vector.extract_strided_slice %concatenate3A_95 {offsets = [0, 5], sizes = [8, 2048], strides = [1, 1]} : vector<8x2056xf32> to vector<8x2048xf32>
    %add3A_106 = arith.addf %add3A_104, %slice3A_105 : vector<8x2048xf32>
    %slice3A_107 = vector.extract_strided_slice %concatenate3A_95 {offsets = [0, 6], sizes = [8, 2048], strides = [1, 1]} : vector<8x2056xf32> to vector<8x2048xf32>
    %add3A_108 = arith.addf %add3A_106, %slice3A_107 : vector<8x2048xf32>
    %slice3A_109 = vector.extract_strided_slice %concatenate3A_95 {offsets = [0, 7], sizes = [8, 2048], strides = [1, 1]} : vector<8x2056xf32> to vector<8x2048xf32>
    %add3A_110 = arith.addf %add3A_108, %slice3A_109 : vector<8x2048xf32>
    %slice3A_111 = vector.extract_strided_slice %concatenate3A_95 {offsets = [0, 8], sizes = [8, 2048], strides = [1, 1]} : vector<8x2056xf32> to vector<8x2048xf32>
    %add3A_112 = arith.addf %add3A_110, %slice3A_111 : vector<8x2048xf32>
    %add3A_113 = arith.addf %add3A_20, %add3A_43 : vector<8x2048xf32>
    %add3A_114 = arith.addf %add3A_113, %add3A_66 : vector<8x2048xf32>
    %add3A_115 = arith.addf %add3A_114, %add3A_89 : vector<8x2048xf32>
    %add3A_116 = arith.addf %add3A_115, %add3A_112 : vector<8x2048xf32>
    %max3A = arith.constant 9.99999996E-13 : f32
    %max3A_117 = vector.broadcast %max3A : f32 to vector<8x2048xf32>
    %max3A_118 = arith.maximumf %add3A_116, %max3A_117 : vector<8x2048xf32>
    %broadcast_in_dim3A_119 = arith.constant 0.000000e+00 : f32
    %broadcast_in_dim3A_120 = vector.broadcast %broadcast_in_dim3A_119 : f32 to vector<8x2048xf32>
    %div3A = arith.divf %add3A_20, %max3A_118 : vector<8x2048xf32>
    %add3A_121 = arith.constant 9.99999996E-13 : f32
    %add3A_122 = vector.broadcast %add3A_121 : f32 to vector<8x2048xf32>
    %add3A_123 = arith.addf %div3A, %add3A_122 : vector<8x2048xf32>
    %log3A = math.log %add3A_123 : vector<8x2048xf32>
    %log3A_124 = arith.constant 2.000000e+00 : f32
    %log3A_125 = math.log %log3A_124 : f32
    %div3A_126 = vector.broadcast %log3A_125 : f32 to vector<8x2048xf32>
    %div3A_127 = arith.divf %log3A, %div3A_126 : vector<8x2048xf32>
    %mul3A = arith.mulf %div3A, %div3A_127 : vector<8x2048xf32>
    %sub3A = arith.subf %broadcast_in_dim3A_120, %mul3A : vector<8x2048xf32>
    %div3A_128 = arith.divf %add3A_43, %max3A_118 : vector<8x2048xf32>
    %add3A_129 = arith.constant 9.99999996E-13 : f32
    %add3A_130 = vector.broadcast %add3A_129 : f32 to vector<8x2048xf32>
    %add3A_131 = arith.addf %div3A_128, %add3A_130 : vector<8x2048xf32>
    %log3A_132 = math.log %add3A_131 : vector<8x2048xf32>
    %log3A_133 = arith.constant 2.000000e+00 : f32
    %log3A_134 = math.log %log3A_133 : f32
    %div3A_135 = vector.broadcast %log3A_134 : f32 to vector<8x2048xf32>
    %div3A_136 = arith.divf %log3A_132, %div3A_135 : vector<8x2048xf32>
    %mul3A_137 = arith.mulf %div3A_128, %div3A_136 : vector<8x2048xf32>
    %sub3A_138 = arith.subf %sub3A, %mul3A_137 : vector<8x2048xf32>
    %div3A_139 = arith.divf %add3A_66, %max3A_118 : vector<8x2048xf32>
    %add3A_140 = arith.constant 9.99999996E-13 : f32
    %add3A_141 = vector.broadcast %add3A_140 : f32 to vector<8x2048xf32>
    %add3A_142 = arith.addf %div3A_139, %add3A_141 : vector<8x2048xf32>
    %log3A_143 = math.log %add3A_142 : vector<8x2048xf32>
    %log3A_144 = arith.constant 2.000000e+00 : f32
    %log3A_145 = math.log %log3A_144 : f32
    %div3A_146 = vector.broadcast %log3A_145 : f32 to vector<8x2048xf32>
    %div3A_147 = arith.divf %log3A_143, %div3A_146 : vector<8x2048xf32>
    %mul3A_148 = arith.mulf %div3A_139, %div3A_147 : vector<8x2048xf32>
    %sub3A_149 = arith.subf %sub3A_138, %mul3A_148 : vector<8x2048xf32>
    %div3A_150 = arith.divf %add3A_89, %max3A_118 : vector<8x2048xf32>
    %add3A_151 = arith.constant 9.99999996E-13 : f32
    %add3A_152 = vector.broadcast %add3A_151 : f32 to vector<8x2048xf32>
    %add3A_153 = arith.addf %div3A_150, %add3A_152 : vector<8x2048xf32>
    %log3A_154 = math.log %add3A_153 : vector<8x2048xf32>
    %log3A_155 = arith.constant 2.000000e+00 : f32
    %log3A_156 = math.log %log3A_155 : f32
    %div3A_157 = vector.broadcast %log3A_156 : f32 to vector<8x2048xf32>
    %div3A_158 = arith.divf %log3A_154, %div3A_157 : vector<8x2048xf32>
    %mul3A_159 = arith.mulf %div3A_150, %div3A_158 : vector<8x2048xf32>
    %sub3A_160 = arith.subf %sub3A_149, %mul3A_159 : vector<8x2048xf32>
    %div3A_161 = arith.divf %add3A_112, %max3A_118 : vector<8x2048xf32>
    %add3A_162 = arith.constant 9.99999996E-13 : f32
    %add3A_163 = vector.broadcast %add3A_162 : f32 to vector<8x2048xf32>
    %add3A_164 = arith.addf %div3A_161, %add3A_163 : vector<8x2048xf32>
    %log3A_165 = math.log %add3A_164 : vector<8x2048xf32>
    %log3A_166 = arith.constant 2.000000e+00 : f32
    %log3A_167 = math.log %log3A_166 : f32
    %div3A_168 = vector.broadcast %log3A_167 : f32 to vector<8x2048xf32>
    %div3A_169 = arith.divf %log3A_165, %div3A_168 : vector<8x2048xf32>
    %mul3A_170 = arith.mulf %div3A_161, %div3A_169 : vector<8x2048xf32>
    %sub3A_171 = arith.subf %sub3A_160, %mul3A_170 : vector<8x2048xf32>
    %swap3A = arith.constant 0 : index
    %swap3A_172 = arith.constant 0 : index
    %swap3A_173 = vector.load %arg1[%swap3A, %swap3A_172] : memref<8x2048xf32, #tpu.memory_space<vmem>>, vector<8x2048xf32>
    tpu.vector_store %arg1[%swap3A, %swap3A_172], %sub3A_171 {strides = array<i32>} : memref<8x2048xf32, #tpu.memory_space<vmem>>, vector<8x2048xf32>,
    %convert_element_type3A_174 = arith.sitofp %get3A_1 : vector<8x2048xi32> to vector<8x2048xf32>
    %broadcast_in_dim3A_175 = arith.constant 0.000000e+00 : f32
    %broadcast_in_dim3A_176 = vector.broadcast %broadcast_in_dim3A_175 : f32 to vector<8x1xf32>
    %slice3A_177 = vector.extract_strided_slice %convert_element_type3A_174 {offsets = [0, 0], sizes = [8, 2047], strides = [1, 1]} : vector<8x2048xf32> to vector<8x2047xf32>
    %concatenate3A_178 = tpu.concatenate %broadcast_in_dim3A_176, %slice3A_177 in 1 : vector<8x1xf32>, vector<8x2047xf32> -> vector<8x2048xf32>
    %add3A_179 = arith.addf %convert_element_type3A_174, %concatenate3A_178 : vector<8x2048xf32>
    %broadcast_in_dim3A_180 = arith.constant 0.000000e+00 : f32
    %broadcast_in_dim3A_181 = vector.broadcast %broadcast_in_dim3A_180 : f32 to vector<8x2xf32>
    %slice3A_182 = vector.extract_strided_slice %add3A_179 {offsets = [0, 0], sizes = [8, 2046], strides = [1, 1]} : vector<8x2048xf32> to vector<8x2046xf32>
    %concatenate3A_183 = tpu.concatenate %broadcast_in_dim3A_181, %slice3A_182 in 1 : vector<8x2xf32>, vector<8x2046xf32> -> vector<8x2048xf32>
    %add3A_184 = arith.addf %add3A_179, %concatenate3A_183 : vector<8x2048xf32>
    %broadcast_in_dim3A_185 = arith.constant 0.000000e+00 : f32
    %broadcast_in_dim3A_186 = vector.broadcast %broadcast_in_dim3A_185 : f32 to vector<8x4xf32>
    %slice3A_187 = vector.extract_strided_slice %add3A_184 {offsets = [0, 0], sizes = [8, 2044], strides = [1, 1]} : vector<8x2048xf32> to vector<8x2044xf32>
    %concatenate3A_188 = tpu.concatenate %broadcast_in_dim3A_186, %slice3A_187 in 1 : vector<8x4xf32>, vector<8x2044xf32> -> vector<8x2048xf32>
    %add3A_189 = arith.addf %add3A_184, %concatenate3A_188 : vector<8x2048xf32>
    %broadcast_in_dim3A_190 = arith.constant 0.000000e+00 : f32
    %broadcast_in_dim3A_191 = vector.broadcast %broadcast_in_dim3A_190 : f32 to vector<8x8xf32>
    %slice3A_192 = vector.extract_strided_slice %add3A_189 {offsets = [0, 0], sizes = [8, 2040], strides = [1, 1]} : vector<8x2048xf32> to vector<8x2040xf32>
    %concatenate3A_193 = tpu.concatenate %broadcast_in_dim3A_191, %slice3A_192 in 1 : vector<8x8xf32>, vector<8x2040xf32> -> vector<8x2048xf32>
    %add3A_194 = arith.addf %add3A_189, %concatenate3A_193 : vector<8x2048xf32>
    %broadcast_in_dim3A_195 = arith.constant 0.000000e+00 : f32
    %broadcast_in_dim3A_196 = vector.broadcast %broadcast_in_dim3A_195 : f32 to vector<8x16xf32>
    %slice3A_197 = vector.extract_strided_slice %add3A_194 {offsets = [0, 0], sizes = [8, 2032], strides = [1, 1]} : vector<8x2048xf32> to vector<8x2032xf32>
    %concatenate3A_198 = tpu.concatenate %broadcast_in_dim3A_196, %slice3A_197 in 1 : vector<8x16xf32>, vector<8x2032xf32> -> vector<8x2048xf32>
    %add3A_199 = arith.addf %add3A_194, %concatenate3A_198 : vector<8x2048xf32>
    %broadcast_in_dim3A_200 = arith.constant 0.000000e+00 : f32
    %broadcast_in_dim3A_201 = vector.broadcast %broadcast_in_dim3A_200 : f32 to vector<8x32xf32>
    %slice3A_202 = vector.extract_strided_slice %add3A_199 {offsets = [0, 0], sizes = [8, 2016], strides = [1, 1]} : vector<8x2048xf32> to vector<8x2016xf32>
    %concatenate3A_203 = tpu.concatenate %broadcast_in_dim3A_201, %slice3A_202 in 1 : vector<8x32xf32>, vector<8x2016xf32> -> vector<8x2048xf32>
    %add3A_204 = arith.addf %add3A_199, %concatenate3A_203 : vector<8x2048xf32>
    %broadcast_in_dim3A_205 = arith.constant 0.000000e+00 : f32
    %broadcast_in_dim3A_206 = vector.broadcast %broadcast_in_dim3A_205 : f32 to vector<8x64xf32>
    %slice3A_207 = vector.extract_strided_slice %add3A_204 {offsets = [0, 0], sizes = [8, 1984], strides = [1, 1]} : vector<8x2048xf32> to vector<8x1984xf32>
    %concatenate3A_208 = tpu.concatenate %broadcast_in_dim3A_206, %slice3A_207 in 1 : vector<8x64xf32>, vector<8x1984xf32> -> vector<8x2048xf32>
    %add3A_209 = arith.addf %add3A_204, %concatenate3A_208 : vector<8x2048xf32>
    %broadcast_in_dim3A_210 = arith.constant 0.000000e+00 : f32
    %broadcast_in_dim3A_211 = vector.broadcast %broadcast_in_dim3A_210 : f32 to vector<8x128xf32>
    %slice3A_212 = vector.extract_strided_slice %add3A_209 {offsets = [0, 0], sizes = [8, 1920], strides = [1, 1]} : vector<8x2048xf32> to vector<8x1920xf32>
    %concatenate3A_213 = tpu.concatenate %broadcast_in_dim3A_211, %slice3A_212 in 1 : vector<8x128xf32>, vector<8x1920xf32> -> vector<8x2048xf32>
    %add3A_214 = arith.addf %add3A_209, %concatenate3A_213 : vector<8x2048xf32>
    %broadcast_in_dim3A_215 = arith.constant 0.000000e+00 : f32
    %broadcast_in_dim3A_216 = vector.broadcast %broadcast_in_dim3A_215 : f32 to vector<8x256xf32>
    %slice3A_217 = vector.extract_strided_slice %add3A_214 {offsets = [0, 0], sizes = [8, 1792], strides = [1, 1]} : vector<8x2048xf32> to vector<8x1792xf32>
    %concatenate3A_218 = tpu.concatenate %broadcast_in_dim3A_216, %slice3A_217 in 1 : vector<8x256xf32>, vector<8x1792xf32> -> vector<8x2048xf32>
    %add3A_219 = arith.addf %add3A_214, %concatenate3A_218 : vector<8x2048xf32>
    %broadcast_in_dim3A_220 = arith.constant 0.000000e+00 : f32
    %broadcast_in_dim3A_221 = vector.broadcast %broadcast_in_dim3A_220 : f32 to vector<8x512xf32>
    %slice3A_222 = vector.extract_strided_slice %add3A_219 {offsets = [0, 0], sizes = [8, 1536], strides = [1, 1]} : vector<8x2048xf32> to vector<8x1536xf32>
    %concatenate3A_223 = tpu.concatenate %broadcast_in_dim3A_221, %slice3A_222 in 1 : vector<8x512xf32>, vector<8x1536xf32> -> vector<8x2048xf32>
    %add3A_224 = arith.addf %add3A_219, %concatenate3A_223 : vector<8x2048xf32>
    %broadcast_in_dim3A_225 = arith.constant 0.000000e+00 : f32
    %broadcast_in_dim3A_226 = vector.broadcast %broadcast_in_dim3A_225 : f32 to vector<8x1024xf32>
    %slice3A_227 = vector.extract_strided_slice %add3A_224 {offsets = [0, 0], sizes = [8, 1024], strides = [1, 1]} : vector<8x2048xf32> to vector<8x1024xf32>
    %concatenate3A_228 = tpu.concatenate %broadcast_in_dim3A_226, %slice3A_227 in 1 : vector<8x1024xf32>, vector<8x1024xf32> -> vector<8x2048xf32>
    %add3A_229 = arith.addf %add3A_224, %concatenate3A_228 : vector<8x2048xf32>
    %broadcast_in_dim3A_230 = arith.constant 0.000000e+00 : f32
    %broadcast_in_dim3A_231 = vector.broadcast %broadcast_in_dim3A_230 : f32 to vector<8x1xf32>
    %broadcast_in_dim3A_232 = arith.constant 0.000000e+00 : f32
    %broadcast_in_dim3A_233 = vector.broadcast %broadcast_in_dim3A_232 : f32 to vector<8x63xf32>
    %concatenate3A_234 = tpu.concatenate %broadcast_in_dim3A_231, %add3A_229, %broadcast_in_dim3A_233 in 1 : vector<8x1xf32>, vector<8x2048xf32>, vector<8x63xf32> -> vector<8x2112xf32>
    %swap3A_235 = arith.constant 0 : index
    %swap3A_236 = arith.constant 0 : index
    %swap3A_237 = vector.load %arg2[%swap3A_235, %swap3A_236] : memref<8x2112xf32, #tpu.memory_space<vmem>>, vector<8x2112xf32>
    tpu.vector_store %arg2[%swap3A_235, %swap3A_236], %concatenate3A_234 {strides = array<i32>} : memref<8x2112xf32, #tpu.memory_space<vmem>>, vector<8x2112xf32>,
    return
  }
}

module attributes {stable_mosaic.version = 14 : i64} {
  func.func @_feat_body(%arg0: memref<8x704xf32, #tpu.memory_space<vmem>>, %arg1: memref<8x16xf32, #tpu.memory_space<vmem>>, %arg2: memref<1x128xf32, #tpu.memory_space<vmem>>, %arg3: memref<1x128xf32, #tpu.memory_space<vmem>>, %arg4: memref<128x128xf32, #tpu.memory_space<vmem>>, %arg5: memref<1x128xf32, #tpu.memory_space<vmem>>, %arg6: memref<8x128xf32, #tpu.memory_space<vmem>>) attributes {dimension_semantics = [], scalar_prefetch = 0 : i64, scratch_operands = 0 : i64, tpu.core_type = #tpu.core_type<tc>} {
    %get3A = arith.constant 0 : index
    %get3A_0 = arith.constant 0 : index
    %get3A_1 = vector.load %arg0[%get3A, %get3A_0] : memref<8x704xf32, #tpu.memory_space<vmem>>, vector<8x704xf32>
    %get3A_2 = arith.constant 0 : index
    %get3A_3 = arith.constant 0 : index
    %get3A_4 = vector.load %arg1[%get3A_2, %get3A_3] : memref<8x16xf32, #tpu.memory_space<vmem>>, vector<8x1xf32>
    %get3A_5 = arith.constant 0 : index
    %get3A_6 = arith.constant 1 : index
    %get3A_7 = vector.load %arg1[%get3A_5, %get3A_6] : memref<8x16xf32, #tpu.memory_space<vmem>>, vector<8x1xf32>
    %get3A_8 = arith.constant 0 : index
    %get3A_9 = arith.constant 2 : index
    %get3A_10 = vector.load %arg1[%get3A_8, %get3A_9] : memref<8x16xf32, #tpu.memory_space<vmem>>, vector<8x1xf32>
    %get3A_11 = arith.constant 0 : index
    %get3A_12 = arith.constant 3 : index
    %get3A_13 = vector.load %arg1[%get3A_11, %get3A_12] : memref<8x16xf32, #tpu.memory_space<vmem>>, vector<8x1xf32>
    %sub3A = arith.constant 2.048000e+03 : f32
    %sub3A_14 = vector.broadcast %sub3A : f32 to vector<8x1xf32>
    %sub3A_15 = arith.subf %sub3A_14, %get3A_7 : vector<8x1xf32>
    %max3A = arith.constant 1.000000e+00 : f32
    %max3A_16 = vector.broadcast %max3A : f32 to vector<8x1xf32>
    %max3A_17 = arith.maximumf %sub3A_15, %max3A_16 : vector<8x1xf32>
    %sub3A_18 = arith.subf %get3A_10, %get3A_13 : vector<8x1xf32>
    %div3A = arith.divf %sub3A_18, %max3A_17 : vector<8x1xf32>
    %iota3A = tpu.iota {dimensions = array<i32: 1>} : vector<8x704xi32>
    %convert_element_type3A = arith.sitofp %iota3A : vector<8x704xi32> to vector<8x704xf32>
    %sub3A_19 = arith.constant 1.000000e+00 : f32
    %sub3A_20 = vector.broadcast %sub3A_19 : f32 to vector<8x1xf32>
    %sub3A_21 = arith.subf %get3A_4, %sub3A_20 : vector<8x1xf32>
    %eq3A = vector.broadcast %sub3A_21 : vector<8x1xf32> to vector<8x704xf32>
    %eq3A_22 = arith.cmpf oeq, %convert_element_type3A, %eq3A : vector<8x704xf32>
    %broadcast_in_dim3A = vector.shape_cast %div3A : vector<8x1xf32> to vector<8x1xf32>
    %broadcast_in_dim3A_23 = vector.broadcast %broadcast_in_dim3A : vector<8x1xf32> to vector<8x704xf32>
    %select_n3A = arith.select %eq3A_22, %broadcast_in_dim3A_23, %get3A_1 : vector<8x704xi1>, vector<8x704xf32>
    %lt3A = vector.broadcast %get3A_4 : vector<8x1xf32> to vector<8x704xf32>
    %lt3A_24 = arith.cmpf olt, %convert_element_type3A, %lt3A : vector<8x704xf32>
    %convert_element_type3A_25 = arith.extui %lt3A_24 : vector<8x704xi1> to vector<8x704xi32>
    %convert_element_type3A_26 = arith.sitofp %convert_element_type3A_25 : vector<8x704xi32> to vector<8x704xf32>
    %get3A_27 = arith.constant 0 : index
    %get3A_28 = arith.constant 0 : index
    %get3A_29 = vector.load %arg2[%get3A_27, %get3A_28] : memref<1x128xf32, #tpu.memory_space<vmem>>, vector<1x128xf32>
    %get3A_30 = arith.constant 0 : index
    %get3A_31 = arith.constant 0 : index
    %get3A_32 = vector.load %arg3[%get3A_30, %get3A_31] : memref<1x128xf32, #tpu.memory_space<vmem>>, vector<1x128xf32>
    %broadcast_in_dim3A_33 = vector.shape_cast %select_n3A : vector<8x704xf32> to vector<8x704x1xf32>
    %broadcast_in_dim3A_34 = vector.shape_cast %get3A_29 : vector<1x128xf32> to vector<1x1x128xf32>
    %mul3A = vector.broadcast %broadcast_in_dim3A_33 : vector<8x704x1xf32> to vector<8x704x128xf32>
    %mul3A_35 = vector.broadcast %broadcast_in_dim3A_34 : vector<1x1x128xf32> to vector<8x704x128xf32>
    %mul3A_36 = arith.mulf %mul3A, %mul3A_35 : vector<8x704x128xf32>
    %broadcast_in_dim3A_37 = vector.shape_cast %get3A_32 : vector<1x128xf32> to vector<1x1x128xf32>
    %add3A = vector.broadcast %broadcast_in_dim3A_37 : vector<1x1x128xf32> to vector<8x704x128xf32>
    %add3A_38 = arith.addf %mul3A_36, %add3A : vector<8x704x128xf32>
    %max3A_39 = arith.constant 0.000000e+00 : f32
    %max3A_40 = vector.broadcast %max3A_39 : f32 to vector<8x704x128xf32>
    %max3A_41 = arith.maximumf %add3A_38, %max3A_40 : vector<8x704x128xf32>
    %broadcast_in_dim3A_42 = vector.shape_cast %convert_element_type3A_26 : vector<8x704xf32> to vector<8x704x1xf32>
    %mul3A_43 = vector.broadcast %broadcast_in_dim3A_42 : vector<8x704x1xf32> to vector<8x704x128xf32>
    %mul3A_44 = arith.mulf %max3A_41, %mul3A_43 : vector<8x704x128xf32>
    %reduce_sum3A = arith.constant dense<0.000000e+00> : vector<8x128xf32>
    %reduce_sum3A_45 = vector.multi_reduction <add>, %mul3A_44, %reduce_sum3A [1] : vector<8x704x128xf32> to vector<8x128xf32>
    %get3A_46 = arith.constant 0 : index
    %get3A_47 = arith.constant 0 : index
    %get3A_48 = vector.load %arg4[%get3A_46, %get3A_47] : memref<128x128xf32, #tpu.memory_space<vmem>>, vector<128x128xf32>
    %dot_general3A = arith.constant dense<0.000000e+00> : vector<8x128xf32>
    %dot_general3A_49 = tpu.matmul %reduce_sum3A_45, %get3A_48, %dot_general3A {dimension_numbers = #tpu.dot_dimension_numbers<[1], [0], [0], [1], [0, 0, 1, 1], [], []>, transpose_lhs_hint = false} : vector<8x128xf32>, vector<128x128xf32>, vector<8x128xf32> -> vector<8x128xf32>
    %div3A_50 = vector.broadcast %get3A_4 : vector<8x1xf32> to vector<8x128xf32>
    %div3A_51 = arith.divf %dot_general3A_49, %div3A_50 : vector<8x128xf32>
    %get3A_52 = arith.constant 0 : index
    %get3A_53 = arith.constant 0 : index
    %get3A_54 = vector.load %arg5[%get3A_52, %get3A_53] : memref<1x128xf32, #tpu.memory_space<vmem>>, vector<1x128xf32>
    %add3A_55 = vector.broadcast %get3A_54 : vector<1x128xf32> to vector<8x128xf32>
    %add3A_56 = arith.addf %div3A_51, %add3A_55 : vector<8x128xf32>
    %swap3A = arith.constant 0 : index
    %swap3A_57 = arith.constant 0 : index
    %swap3A_58 = vector.load %arg6[%swap3A, %swap3A_57] : memref<8x128xf32, #tpu.memory_space<vmem>>, vector<8x128xf32>
    tpu.vector_store %arg6[%swap3A, %swap3A_57], %add3A_56 {strides = array<i32>} : memref<8x128xf32, #tpu.memory_space<vmem>>, vector<8x128xf32>,
    return
  }
}

</mosaic_0001>

<sc_bundles>
// kernel: kernel.5.cloned.1.call-start
scs
__scs_entry_jumppad:
0x0: {  	(pc) =	sbr.rel $0x88, $3  }
0x1: {  	(tag) =	ssettag $0x0;
	lr =	simm.s32 $0x1  }
0x2: {  	[smem:$0x3F9C] =	sst lr;
	_ =	strace $0xD0000000  }
0x3: {  	_ = 	snop  }
0x4: {  	_ = 	snop  }
0x5: {  	_ = 	snop  }
0x6: {  	_ = 	snop  }
0x7: {  	_ = 	snop  }
__scs_overlays_trampoline_lowered:
0x8: {  	[smem:$0x3FAB] =	sst s0  }
0x9: {  	[smem:$0x3FAC] =	sst s1  }
0xa: {  	[smem:$0x3FAD] =	sst s2  }
0xb: {  	[smem:$0x3FAE] =	sst s3  }
0xc: {  	[smem:$0x3FAF] =	sst s4  }
0xd: {  	[smem:$0x3FB0] =	sst s5  }
0xe: {  	[smem:$0x3FB1] =	sst s6  }
0xf: {  	[smem:$0x3FB2] =	sst s7  }
0x10: {  	[smem:$0x3FB3] =	sst s8  }
0x11: {  	[smem:$0x3FB4] =	sst s9;
	s0 =	simm.s32 @!p0 $0x0  }
0x12: {  	s1 =	sld [smem:$0x3F9A];
	s0 =	simm.s32 @p0 $0x1  }
0x13: {  	[smem:$0x3FB5] =	sst s0;
	s0 =	simm.s32 @!p1 $0x0  }
0x14: {  	s2 =	sld [smem:$0x3F99];
	s0 =	simm.s32 @p1 $0x1  }
0x15: {  	[smem:$0x3FB6] =	sst s0;
	s0 =	simm.s32 @!p2 $0x0  }
0x16: {  	s3 =	sld [smem:$0x3FDB];
	s0 =	simm.s32 @p2 $0x1  }
0x17: {  	s4 =	simm.s32 $0x1BF5;
	[smem:$0x3FB8] =	sst s0  }
0x18: {  	s0 =	sld [smem:$0x3F9B];
	_ =	swait.ge [sflag:s4], $0x0  }
0x19: {  	s7 =	sld [smem:$0x3F9C]  }
0x1a: {  	s8 =	sadd.s32 $0xFFFFE003, lr  }
0x1b: {  	s9 =	sadd.s32 $0xFFFFFEF7, lr;
	s5 =	simm.s32 $0xFFFFFFFF;
	p2 =	slt.u32 s8, $0xFFFFF086  }
0x1c: {  	p1 =	slt.u32 s9, $0xF7A;
	s5 =	simm.s32 @!p2 $0x0  }
0x1d: {  	s5 =	simm.s32 @p1 $0x1;
	p0 =	seq.s32 s7, s2  }
0x1e: {  	s7 =	smul.u32 @!p0 $0xF7A, s2;
	p2 =	seq.s32 @!p0 s5, $0x0  }
0x1f: {  	s9 =	smul.u32 $0xF7A, s1;
	s8 =	simm.s32 @!p0 $0x1BF5;
	p2 =	por !p2, p0  }
0x20: {  	[sflag:s8] =	ssyncset.s32 @!p0 $0xFFFFF086;
	s6 =	sadd.s32 @!p0 s3, s7;
	s7 =	simm.s32 @!p0 $0x108  }
0x21: {  	s3 =	sadd.s32 s3, s9;
	s6 =	sadd.s32 @!p0 $0x88, s6;
	s7 =	simm.s32 @p2 $0x1082  }
0x22: {  	[simem:s7], [sflag:s8] =	dma.local @!p0 [hbm:s6], $0xF7A  }
0x23: {  	s9 =	sor.u32 $0xD0000000, s2;
	s6 =	simm.s32 $0x108;
	_ =	swait.ge @!p0 [sflag:s8], $0x0  }
0x24: {  	s3 =	sadd.s32 $0x88, s3;
	s6 =	simm.s32 @!p1 $0x1082;
	[sflag:s4] =	ssyncset.s32 $0xFFFFF086  }
0x25: {  	[simem:s6], [sflag:s4] =	dma.local [hbm:s3], $0xF7A  }
0x26: {  	[smem:$0x3F9C] =	sst s1;
	(tag) =	ssettag s2;
	_ =	strace s9  }
0x27: {  	s1 =	sld [smem:$0x3FAC]  }
0x28: {  	s2 =	sld [smem:$0x3FAD]  }
0x29: {  	s4 =	sld [smem:$0x3FAF]  }
0x2a: {  	p0 =	seq.s32 s5, $0x0;
	s5 =	sld [smem:$0x3FB0]  }
0x2b: {  	s6 =	sld [smem:$0x3FB1]  }
0x2c: {  	s7 =	sld [smem:$0x3FB2]  }
0x2d: {  	s3 =	simm.s32 $0x108;
	s8 =	sld [smem:$0x3FB3]  }
0x2e: {  	s3 =	simm.s32 @!p0 $0x1082;
	s9 =	sld [smem:$0x3FB4]  }
0x2f: {  	lr =	sadd.s32 s0, s3;
	s0 =	sld [smem:$0x3FAB]  }
0x30: {  	s3 =	sld [smem:$0x3FAE]  }
0x31: {  	[smem:$0x3FB7] =	sst s10  }
0x32: {  	s10 =	sld [smem:$0x3FB5];
	_ =	sdelay $0x3  }
0x33: {  	p0 =	seq.s32 s10, $0x1;
	s10 =	sld [smem:$0x3FB7];
	_ =	sdelay $0x3  }
0x34: {  	[smem:$0x3FB7] =	sst s10  }
0x35: {  	s10 =	sld [smem:$0x3FB6];
	_ =	sdelay $0x3  }
0x36: {  	p1 =	seq.s32 s10, $0x1;
	s10 =	sld [smem:$0x3FB7];
	_ =	sdelay $0x3  }
0x37: {  	[smem:$0x3FB7] =	sst s10  }
0x38: {  	s10 =	sld [smem:$0x3FB8]  }
0x39: {  	_ = 	snop;
	(pc) =	sbr.ind lr, $3  }
0x3a: {  	_ = 	snop  }
0x3b: {  	_ = 	snop  }
0x3c: {  	p2 =	seq.s32 s10, $0x1;
	s10 =	sld [smem:$0x3FB7]  }
0x3d: {  	_ =	shalt  }
0x3e: {  	_ =	shalt  }
0x3f: {  	_ =	shalt  }
0x40: {  	_ =	shalt  }
0x41: {  	_ =	shalt  }
0x42: {  	_ =	shalt  }
0x43: {  	_ =	shalt  }
0x44: {  	_ =	shalt  }
0x45: {  	_ =	shalt  }
0x46: {  	_ =	shalt  }
0x47: {  	_ =	shalt  }
0x48: {  	_ =	shalt  }
0x49: {  	_ =	shalt  }
0x4a: {  	_ =	shalt  }
0x4b: {  	_ =	shalt  }
0x4c: {  	_ =	shalt  }
0x4d: {  	_ =	shalt  }
0x4e: {  	_ =	shalt  }
0x4f: {  	_ =	shalt  }
0x50: {  	_ =	shalt  }
0x51: {  	_ =	shalt  }
0x52: {  	_ =	shalt  }
0x53: {  	_ =	shalt  }
0x54: {  	_ =	shalt  }
0x55: {  	_ =	shalt  }
0x56: {  	_ =	shalt  }
0x57: {  	_ =	shalt  }
0x58: {  	_ =	shalt  }
0x59: {  	_ =	shalt  }
0x5a: {  	_ =	shalt  }
0x5b: {  	_ =	shalt  }
0x5c: {  	_ =	shalt  }
0x5d: {  	_ =	shalt  }
0x5e: {  	_ =	shalt  }
0x5f: {  	_ =	shalt  }
0x60: {  	_ =	shalt  }
0x61: {  	_ =	shalt  }
0x62: {  	_ =	shalt  }
0x63: {  	_ =	shalt  }
0x64: {  	_ =	shalt  }
0x65: {  	_ =	shalt  }
0x66: {  	_ =	shalt  }
0x67: {  	_ =	shalt  }
0x68: {  	_ =	shalt  }
0x69: {  	_ =	shalt  }
0x6a: {  	_ =	shalt  }
0x6b: {  	_ =	shalt  }
0x6c: {  	_ =	shalt  }
0x6d: {  	_ =	shalt  }
0x6e: {  	_ =	shalt  }
0x6f: {  	_ =	shalt  }
0x70: {  	_ =	shalt  }
0x71: {  	_ =	shalt  }
0x72: {  	_ =	shalt  }
0x73: {  	_ =	shalt  }
0x74: {  	_ =	shalt  }
0x75: {  	_ =	shalt  }
0x76: {  	_ =	shalt  }
0x77: {  	_ =	shalt  }
0x78: {  	_ =	shalt  }
0x79: {  	_ =	shalt  }
0x7a: {  	_ =	shalt  }
0x7b: {  	_ =	shalt  }
0x7c: {  	_ =	shalt  }
0x7d: {  	_ =	shalt  }
0x7e: {  	_ =	shalt  }
0x7f: {  	_ =	shalt  }
0x80: {  	_ =	shalt  }
0x81: {  	_ =	shalt  }
0x82: {  	_ =	shalt  }
0x83: {  	_ =	shalt  }
0x84: {  	_ =	shalt  }
0x85: {  	_ =	shalt  }
0x86: {  	_ =	shalt  }
0x87: {  	_ =	shalt  }
.Lfunc_end0:
.L_simem_size_0:
called_computation_lowered:
.L_overlay_start_0:
0x88: {  	s0 =	sld [smem:$0x3FD9]  }
0x89: {  	s1 =	sld [smem:$0x3FFE];
	_ =	sdelay $0x3  }
0x8a: {  	s0 =	sadd.s32 s1, s0  }
0x8b: {  	[smem:$0x3FC3] =	sst s0  }
0x8c: {  	_ = 	snop  }
0x8d: {  	s0 =	sld [smem:$0x3FD0];
	_ =	sdelay $0x2  }
0x8e: {  	s13 =	simm.s32 $0xA;
	s2 =	simm.s32 $0x10  }
0x8f: {  	[smem:s2], [sflag:s13] =	dma.local [hbm:s0], $0x1  }
0x90: {  	_ =	swait.eq [sflag:s13], $0x1  }
0x91: {  	[sflag:s13] =	ssyncset.done $0x0  }
0x92: {  	s14 =	sld [smem:$0x10];
	[sflag:s13] =	ssyncadd.s32 $0xFFFFFFFF  }
0x93: {  	s15 =	sld [smem:$0x11];
	(tm) =	ssettm $0x1  }
0x94: {  	s16 =	sld [smem:$0x3FFB];
	_ =	sdelay $0x3  }
0x95: {  	_ =	strace s16  }
0x96: {  	s2 =	sld [smem:$0x3FFC];
	_ =	sdelay $0x3  }
0x97: {  	_ =	strace s2  }
0x98: {  	s2 =	sld [smem:$0x3FFD];
	_ =	sdelay $0x3  }
0x99: {  	_ =	strace s2  }
0x9a: {  	_ =	strace $0x8FFFFFFF  }
0x9b: {  	s17 =	sld [smem:$0x3FDB];
	_ =	sdelay $0x1  }
0x9c: {  	s3 =	simm.s32 $_scs_section_size  }
0x9d: {  	s4 =	simm.s32 $_size__tile_overlayer_lowered;
	s5 =	simm.s32 $_tile_overlayer_lowered  }
0x9e: {  	s20 =	simm.s32 $0x1BFF;
	s19 =	sshll.u32 s5, $0x1;
	s2 =	sadd.s32 s3, s17  }
0x9f: {  	s6 =	simm.s32 $0x0;
	s18 =	sshll.u32 s4, $0x1;
	s4 =	sadd.s32 s19, s2  }
0xa0: {  	[timem:s6], [sflag:s20] =	dma.local [hbm:s4], s18  }
0xa1: {  	_ =	swait.ge [sflag:s20], s18  }
0xa2: {  	s3 =	ssub.s32 $0x0, s18;
	[sflag:s20] =	ssyncset.done $0x0  }
0xa3: {  	[sflag:s20] =	ssyncadd.s32 s3;
	_ =	sdelay $0x1  }
0xa4: {  	s21 =	simm.s32 $0x1B8B  }
0xa5: {  	_ =	swait.ge [sflag:s21], $0x1  }
0xa6: {  	[sflag:s21] =	ssyncset.done $0x0  }
0xa7: {  	s23 =	simm.s32 $0x1B8E;
	s22 =	sld [smem:$0x3FFE];
	[sflag:s21] =	ssyncadd.s32 $0xFFFFFFFF  }
0xa8: {  	s24 =	simm.s32 $execute0_lowered;
	[smem:$0x3FD2] =	sst s23  }
0xa9: {  	s4 =	sshll.u32 s24, $0x1;
	_ =	strace $0x80000046;
	[dreg:$0x1] =	wrdreg $0xFFFFFFFF  }
0xaa: {  	s25 =	simm.s32 $_size_execute0_lowered;
	s2 =	sadd.s32 s2, s4;
	[dreg:$0x0] =	wrdreg $0x0  }
0xab: {  	s4 =	sshll.u32 s25, $0x1;
	[dreg:$0x2] =	wrdreg s2  }
0xac: {  	[dreg:$0x3] =	wrdreg s4  }
0xad: {  	[dreg:$0x4] =	wrdreg $0xC0  }
0xae: {  	_ =	task [dreg:s6], $0x5FFFF  }
0xaf: {  	[dreg:$0x1] =	wrdreg $0xFFFFFFFF  }
0xb0: {  	[dreg:$0x0] =	wrdreg $0x60  }
0xb1: {  	[dreg:$0x2] =	wrdreg s15  }
0xb2: {  	[dreg:$0x3] =	wrdreg s22  }
0xb3: {  	[dreg:$0x4] =	wrdreg s14  }
0xb4: {  	[dreg:$0x5] =	wrdreg $0x9  }
0xb5: {  	_ =	task.clear_ibuf [dreg:s6], $0x6FFFF;
	_ =	strace $0x90000046  }
0xb6: {  	s26 =	simm.s32 $0x9;
	_ =	strace $0x80000048  }
0xb7: {  	_ =	swait.ge [sflag:s26], $0x1  }
0xb8: {  	[sflag:s26] =	ssyncadd.s32 $0xFFFFFFFF  }
0xb9: {  	_ =	strace $0x90000048  }
0xba: {  	_ =	sfence  }
0xbb: {  	s28 =	sld [smem:$0x0];
	_ =	sdelay $0x1  }
0xbc: {  	s29 =	srdreg.scid  }
0xbd: {  	s30 =	sshll.u32 s29, $0xD;
	s31 =	sshrl.u32 s29, $0x2  }
0xbe: {  	s1 =	sand.u32 $0x1, s29;
	s2 =	sand.u32 $0x4000, s30;
	s0 =	sadd.s32 s31, s28  }
0xbf: {  	s1 =	sor.u32 s2, s1;
	s0 =	sshll.u32 s0, $0x11  }
0xc0: {  	s0 =	sor.u32 s0, s1  }
0xc1: {  	s0 =	sadd.s32 $0x8F2B, s0  }
0xc2: {  	[sflag:s0] =	ssyncadd.remote.s32 $0x1  }
0xc3: {  	_ =	sfence.sel $0xFFFF  }
0xc4: {  	[dreg:$0x0] =	wrdreg $0xFFFFFFFF;
	(pc) =	sbr.abs _section_cstart, $3  }
0xc5: {  	[dreg:$0x1] =	wrdreg $0xFFFFFFFF  }
0xc6: {  	_ =	task.clear_ibuf [dreg:s6], $0x2FFFF;
	_ =	strace $0x9FFFFFFF  }
0xc7: {  	(tm) =	ssettm $0x7FFFFFFF  }
tec
execute0_lowered:
.L_overlay_start_1:
0x0: {  	(tag) =	ssettag $0x1  }
0x1: {  	s5 =	rddreg [dreg:$0x0]  }
0x2: {  	s6 =	rddreg [dreg:$0x1]  }
0x3: {  	s2 =	rddreg [dreg:$0x2]  }
0x4: {  	s1 =	stileid.u32;
	s0 =	rddreg [dreg:$0x3]  }
0x5: {  	s4 =	simm.s32 $0x0;
	s8 =	simm.s32 $0x80;
	s3 =	sshll.u32 s1, $0x4  }
0x6: {  	s9 =	simm.s32 $0x400;
	[smem:$0x7FF] =	sst s4;
	s3 =	sand.u32 $0x70, s3  }
0x7: {  	_ =	strace $0x80000047;
	s7 =	sadd.s32 s3, s6;
	s5 =	sadd.s32 s5, s3  }
0x8: {  	[tilespmem:s4], [sflag:$0x1] =	stream.strided.gather [hbm4b:s5+s8], $0x800, s9, s8, $0x38;
	[tilespmem:$0x1480] =	vst v63  }
0x9: {  	s29 =	simm.s32 $0x880;
	s30 =	simm.s32 $0x1;
	s28 =	sadd.s32 $0x1A00, s7  }
0xa: {  	[tilespmem:s29], [sflag:$0x2] =	stream.strided.gather [hbm4b:s28+s8], $0x880, s9, s8, $0x38;
	[tilespmem:$0x1480] =	vst v63  }
0xb: {  	_ =	swait.ge [sflag:s30], $0x800  }
0xc: {  	[sflag:s30] =	ssyncset.done $0x0  }
0xd: {  	s31 =	simm.s32 $0x2;
	[sflag:s30] =	ssyncadd.s32 $0xFFFFF800  }
0xe: {  	_ =	swait.ge [sflag:s31], $0x880  }
0xf: {  	[sflag:s31] =	ssyncset.done $0x0  }
0x10: {  	[sflag:s31] =	ssyncadd.s32 $0xFFFFF780  }
0x11: {  	v0 =	vld [tilespmem:$0x0];
	_ =	sdelay $0x4  }
0x12: {  	(v2sf) =	vpush v0, $0x0;
	_ =	sdelay $0xa  }
0x13: {  	v1 =	vimm.f32 $0.0e+00  }
0x14: {  	[tilespmem:$0x800] =	vst v1  }
0x15: {  	[tilespmem:$0x810] =	vst v1  }
0x16: {  	vm0 =	vcmask $0x704;
	vm1 =	vcmask $0x300;
	s5 =	sadd.s32 $0x2400, s6;
	s7 =	simm.s32 $0xFFFFFFFC;
	s6 =	simm.s32 $0x0;
	[tilespmem:$0x820] =	vst v1  }
0x17: {  	s9 =	simm.f32 $0.0e+00;
	s8 =	simm.s32 $0x0;
	[tilespmem:$0x830] =	vst v1;
	v0 =	vsel vm0, $0x3F800000, v1;
	v1 =	vsel vm1, $0x3F800000, v1;
	s10 =	spop (v2sf)  }
.LBB2_1:
0x18: {  	v2 =	vld [tilespmem:s6+$0x3]  }
0x19: {  	v3 =	vld [tilespmem:s6+$0xC]  }
0x1a: {  	v4 =	vld [tilespmem:s6+$0x883]  }
0x1b: {  	v5 =	vld [tilespmem:s6+$0x88C]  }
0x1c: {  	v6 =	vld [tilespmem:s6+$0x6]  }
0x1d: {  	(v2sf) =	vpush v2, $0x0;
	v2 =	vld [tilespmem:s6+$0xF]  }
0x1e: {  	(v2sf) =	vpush v3, $0x0;
	v3 =	vld [tilespmem:s6+$0x18]  }
0x1f: {  	v44 =	vld [tilespmem:s6+$0x886];
	(v2sf) =	vpush v4, $0x0  }
0x20: {  	v45 =	vld [tilespmem:s6+$0x88F];
	(v2sf) =	vpush v5, $0x0  }
0x21: {  	v46 =	vld [tilespmem:s6+$0x898];
	(v2sf) =	vpush v6, $0x0  }
0x22: {  	(v2sf) =	vpush v2, $0x0  }
0x23: {  	(v2sf) =	vpush v3, $0x0  }
0x24: {  	(v2sf) =	vpush v44, $0x0  }
0x25: {  	(v2sf) =	vpush v45, $0x0  }
0x26: {  	(v2sf) =	vpush v46, $0x0;
	_ =	sdelay $0x5  }
0x27: {  	s15 =	spop (v2sf)  }
0x28: {  	s16 =	spop (v2sf)  }
0x29: {  	s17 =	spop (v2sf)  }
0x2a: {  	s18 =	spop (v2sf)  }
0x2b: {  	s14 =	spop (v2sf)  }
0x2c: {  	p1 =	slt.s32 s6, $0x800;
	s13 =	spop (v2sf)  }
0x2d: {  	s20 =	simm.f32 $1.000000000e+00;
	p2 =	sgt.f32 s10, $1.509999990e+00;
	s12 =	spop (v2sf)  }
0x2e: {  	s20 =	simm.s32 @!p1 $0x0;
	s19 =	spop (v2sf)  }
0x2f: {  	s22 =	ssub.f32 $1.000000000e+00, s20;
	s16 =	smov.u32 @p2 s15;
	s10 =	spop (v2sf)  }
0x30: {  	p3 =	sgt.f32 s16, $1.509999990e+00;
	s11 =	spop (v2sf)  }
0x31: {  	s18 =	smov.u32 @p2 s17;
	s11 =	smov.u32 @p2 s10;
	s10 =	smov.u32 @p2 s19  }
0x32: {  	s16 =	simm.f32 $3.333333430e-01;
	s9 =	ssub.f32 s18, s9;
	s11 =	smov.u32 @p3 s10  }
0x33: {  	v2 =	vmul.f32 s20, v0;
	v3 =	vmul.f32 s22, v1;
	s16 =	simm.s32 @!p2 $0x3DAAAAAB;
	s10 =	simm.f32 $3.333333430e-01;
	s17 =	ssub.f32 s11, s18  }
0x34: {  	s9 =	smul.f32 s9, s16;
	s10 =	simm.s32 @!p3 $0x3DAAAAAB  }
0x35: {  	v2 =	vadd.f32 v3, v2;
	s15 =	simm.s32 $0x3;
	s10 =	smul.f32 s17, s10  }
0x36: {  	s15 =	simm.s32 @!p2 $0xC  }
0x37: {  	s15 =	simm.s32 @!p1 $0x0;
	v3 =	vmul.f32 s9, v1;
	v2 =	vmul.f32 s10, v2  }
0x38: {  	s9 =	sadd.s32 s6, s15;
	s10 =	simm.s32 $0x3  }
0x39: {  	p0 =	slt.s32 s9, $0x800;
	s10 =	simm.s32 @!p3 $0xC;
	v2 =	vadd.f32 v2, v3  }
0x3a: {  	s10 =	simm.s32 @!p0 $0x0  }
0x3b: {  	s10 =	sadd.s32 s9, s10;
	[tilespmem:s8+$0x1100] =	vst v2  }
0x3c: {  	v2 =	vld [tilespmem:s10+$0x3]  }
0x3d: {  	v3 =	vld [tilespmem:s10+$0xC]  }
0x3e: {  	v47 =	vld [tilespmem:s10+$0x883]  }
0x3f: {  	v48 =	vld [tilespmem:s10+$0x88C]  }
0x40: {  	v49 =	vld [tilespmem:s10+$0x6]  }
0x41: {  	(v2sf) =	vpush v2, $0x0;
	v2 =	vld [tilespmem:s10+$0xF]  }
0x42: {  	(v2sf) =	vpush v3, $0x0;
	v3 =	vld [tilespmem:s10+$0x18]  }
0x43: {  	v50 =	vld [tilespmem:s10+$0x886];
	(v2sf) =	vpush v47, $0x0  }
0x44: {  	v51 =	vld [tilespmem:s10+$0x88F];
	(v2sf) =	vpush v48, $0x0  }
0x45: {  	v52 =	vld [tilespmem:s10+$0x898];
	(v2sf) =	vpush v49, $0x0  }
0x46: {  	(v2sf) =	vpush v2, $0x0  }
0x47: {  	(v2sf) =	vpush v3, $0x0  }
0x48: {  	(v2sf) =	vpush v50, $0x0  }
0x49: {  	(v2sf) =	vpush v51, $0x0  }
0x4a: {  	(v2sf) =	vpush v52, $0x0;
	_ =	sdelay $0x5  }
0x4b: {  	s16 =	spop (v2sf)  }
0x4c: {  	s15 =	simm.s32 @!p0 $0x0;
	s17 =	spop (v2sf)  }
0x4d: {  	s15 =	simm.s32 @p0 $0x1;
	s18 =	spop (v2sf)  }
0x4e: {  	[smem:$0x7FD] =	sst s15;
	s15 =	smov.u32 s13;
	s19 =	spop (v2sf)  }
0x4f: {  	s12 =	smov.u32 @p2 s13;
	s15 =	smov.u32 @p2 s14;
	s14 =	spop (v2sf)  }
0x50: {  	s20 =	simm.f32 $1.000000000e+00;
	s12 =	smov.u32 @p3 s15;
	s15 =	spop (v2sf)  }
0x51: {  	p4 =	sgt.f32 s12, $1.509999990e+00;
	p2 =	slt.s32 s10, $0x800;
	s12 =	spop (v2sf)  }
0x52: {  	s20 =	simm.s32 @!p2 $0x0;
	s21 =	spop (v2sf)  }
0x53: {  	s23 =	ssub.f32 $1.000000000e+00, s20;
	s17 =	smov.u32 @p4 s16;
	s22 =	spop (v2sf)  }
0x54: {  	p5 =	sgt.f32 s17, $1.509999990e+00;
	s13 =	spop (v2sf)  }
0x55: {  	s19 =	smov.u32 @p4 s18;
	s13 =	smov.u32 @p4 s22;
	s22 =	smov.u32 @p4 s21  }
0x56: {  	s17 =	simm.f32 $3.333333430e-01;
	s11 =	ssub.f32 s19, s11;
	s13 =	smov.u32 @p5 s22  }
0x57: {  	v2 =	vmul.f32 s20, v0;
	v3 =	vmul.f32 s23, v1;
	s17 =	simm.s32 @!p4 $0x3DAAAAAB;
	s18 =	simm.f32 $3.333333430e-01;
	s19 =	ssub.f32 s13, s19  }
0x58: {  	s18 =	simm.s32 @!p5 $0x3DAAAAAB;
	s11 =	smul.f32 s11, s17  }
0x59: {  	v2 =	vadd.f32 v3, v2;
	s16 =	simm.s32 $0x1;
	s17 =	simm.s32 $0x3;
	s18 =	smul.f32 s19, s18  }
0x5a: {  	s16 =	simm.s32 @!p1 $0x0;
	s17 =	simm.s32 @!p4 $0xC  }
0x5b: {  	s16 =	sadd.s32 s16, s8;
	s17 =	simm.s32 @!p2 $0x0;
	v3 =	vmul.f32 s11, v1;
	v2 =	vmul.f32 s18, v2  }
0x5c: {  	s11 =	simm.s32 $0x1;
	s8 =	sadd.s32 s10, s17;
	s18 =	simm.s32 $0x3  }
0x5d: {  	s11 =	simm.s32 @!p0 $0x0;
	p3 =	slt.s32 s8, $0x800;
	s18 =	simm.s32 @!p5 $0xC;
	v2 =	vadd.f32 v2, v3  }
0x5e: {  	s24 =	sadd.s32 s11, s16;
	s18 =	simm.s32 @!p3 $0x0  }
0x5f: {  	s11 =	sadd.s32 s8, s18;
	[tilespmem:s24+$0x1100] =	vst v2  }
0x60: {  	v2 =	vld [tilespmem:s11+$0x3]  }
0x61: {  	v3 =	vld [tilespmem:s11+$0xC]  }
0x62: {  	v53 =	vld [tilespmem:s11+$0x883]  }
0x63: {  	v54 =	vld [tilespmem:s11+$0x88C]  }
0x64: {  	v55 =	vld [tilespmem:s11+$0x6]  }
0x65: {  	(v2sf) =	vpush v2, $0x0;
	v2 =	vld [tilespmem:s11+$0xF]  }
0x66: {  	(v2sf) =	vpush v3, $0x0;
	v3 =	vld [tilespmem:s11+$0x18]  }
0x67: {  	v56 =	vld [tilespmem:s11+$0x886];
	(v2sf) =	vpush v53, $0x0  }
0x68: {  	v57 =	vld [tilespmem:s11+$0x88F];
	(v2sf) =	vpush v54, $0x0  }
0x69: {  	v58 =	vld [tilespmem:s11+$0x898];
	(v2sf) =	vpush v55, $0x0  }
0x6a: {  	(v2sf) =	vpush v2, $0x0  }
0x6b: {  	(v2sf) =	vpush v3, $0x0  }
0x6c: {  	(v2sf) =	vpush v56, $0x0  }
0x6d: {  	(v2sf) =	vpush v57, $0x0  }
0x6e: {  	(v2sf) =	vpush v58, $0x0;
	_ =	sdelay $0x5  }
0x6f: {  	s18 =	spop (v2sf)  }
0x70: {  	s19 =	spop (v2sf)  }
0x71: {  	s16 =	smov.u32 s15;
	s20 =	spop (v2sf)  }
0x72: {  	s12 =	smov.u32 @p4 s15;
	s16 =	smov.u32 @p4 s14;
	s21 =	spop (v2sf)  }
0x73: {  	s12 =	smov.u32 @p5 s16;
	s15 =	spop (v2sf)  }
0x74: {  	p5 =	sgt.f32 s12, $1.509999990e+00;
	s16 =	spop (v2sf)  }
0x75: {  	s14 =	spop (v2sf)  }
0x76: {  	p4 =	slt.s32 s11, $0x800;
	s19 =	smov.u32 @p5 s18;
	s22 =	spop (v2sf)  }
0x77: {  	s18 =	simm.f32 $1.000000000e+00;
	s21 =	smov.u32 @p5 s20;
	s20 =	spop (v2sf)  }
0x78: {  	p6 =	sgt.f32 s19, $1.509999990e+00;
	s18 =	simm.s32 @!p4 $0x0;
	s12 =	spop (v2sf)  }
0x79: {  	s25 =	ssub.f32 $1.000000000e+00, s18;
	s12 =	smov.u32 @p5 s20;
	s20 =	smov.u32 @p5 s22  }
0x7a: {  	s13 =	ssub.f32 s21, s13;
	s12 =	smov.u32 @p6 s20;
	s20 =	simm.f32 $3.333333430e-01  }
0x7b: {  	v2 =	vmul.f32 s18, v0;
	s18 =	simm.f32 $3.333333430e-01;
	v3 =	vmul.f32 s25, v1;
	s20 =	simm.s32 @!p5 $0x3DAAAAAB;
	s26 =	ssub.f32 s12, s21  }
0x7c: {  	s18 =	simm.s32 @!p6 $0x3DAAAAAB;
	s13 =	smul.f32 s13, s20  }
0x7d: {  	s19 =	simm.s32 $0x3;
	v2 =	vadd.f32 v3, v2;
	s20 =	simm.s32 $0x1;
	s18 =	smul.f32 s26, s18  }
0x7e: {  	s19 =	simm.s32 @!p5 $0xC;
	s20 =	simm.s32 @!p2 $0x0  }
0x7f: {  	s19 =	simm.s32 @!p4 $0x0;
	s17 =	sadd.s32 s20, s24;
	v3 =	vmul.f32 s13, v1;
	v2 =	vmul.f32 s18, v2  }
0x80: {  	s13 =	simm.s32 $0x1;
	s18 =	sadd.s32 s11, s19;
	s19 =	simm.s32 $0x3  }
0x81: {  	s13 =	simm.s32 @!p3 $0x0;
	s19 =	simm.s32 @!p6 $0xC;
	p0 =	slt.s32 s18, $0x800;
	v2 =	vadd.f32 v2, v3  }
0x82: {  	s17 =	sadd.s32 s13, s17;
	s19 =	simm.s32 @!p0 $0x0  }
0x83: {  	s13 =	sadd.s32 s18, s19;
	[tilespmem:s17+$0x1100] =	vst v2  }
0x84: {  	v2 =	vld [tilespmem:s13+$0x3]  }
0x85: {  	v3 =	vld [tilespmem:s13+$0xC]  }
0x86: {  	v59 =	vld [tilespmem:s13+$0x883]  }
0x87: {  	v60 =	vld [tilespmem:s13+$0x88C]  }
0x88: {  	v61 =	vld [tilespmem:s13+$0x6]  }
0x89: {  	(v2sf) =	vpush v2, $0x0;
	v2 =	vld [tilespmem:s13+$0xF]  }
0x8a: {  	(v2sf) =	vpush v3, $0x0  }
0x8b: {  	v3 =	vld [tilespmem:s13+$0x18];
	(v2sf) =	vpush v59, $0x0  }
0x8c: {  	v62 =	vld [tilespmem:s13+$0x886];
	(v2sf) =	vpush v60, $0x0  }
0x8d: {  	v63 =	vld [tilespmem:s13+$0x88F];
	(v2sf) =	vpush v61, $0x0  }
0x8e: {  	(v2sf) =	vpush v2, $0x0;
	v2 =	vld [tilespmem:s13+$0x898];
	_ =	sdelay $0x1  }
0x8f: {  	(v2sf) =	vpush v3, $0x0  }
0x90: {  	s28 =	sld [smem:$0x7FD];
	(v2sf) =	vpush v62, $0x0  }
0x91: {  	(v2sf) =	vpush v63, $0x0  }
0x92: {  	(v2sf) =	vpush v2, $0x0  }
0x93: {  	s4 =	smov.u32 @p1 s6;
	p1 =	seq.s32 s28, $0x1  }
0x94: {  	s4 =	smov.u32 @p1 s9  }
0x95: {  	s4 =	smov.u32 @p2 s10;
	s20 =	smov.u32 s16  }
0x96: {  	s4 =	smov.u32 @p3 s8;
	s14 =	smov.u32 @p5 s16;
	s20 =	smov.u32 @p5 s15  }
0x97: {  	s7 =	sadd.s32 $0x4, s7;
	s4 =	smov.u32 @p4 s11;
	s14 =	smov.u32 @p6 s20  }
0x98: {  	p1 =	sgt.f32 s14, $1.509999990e+00;
	s14 =	simm.s32 $0x1;
	s6 =	spop (v2sf)  }
0x99: {  	s4 =	smov.u32 @p0 s18;
	s14 =	simm.s32 @!p4 $0x0;
	s9 =	spop (v2sf)  }
0x9a: {  	s18 =	simm.s32 $0x1;
	p2 =	slt.s32 s13, $0x800;
	s19 =	spop (v2sf)  }
0x9b: {  	s18 =	simm.s32 @!p0 $0x0;
	s14 =	sadd.s32 s14, s17;
	s8 =	spop (v2sf)  }
0x9c: {  	s17 =	simm.f32 $3.333333430e-01;
	s30 =	sadd.s32 s18, s14;
	s21 =	spop (v2sf)  }
0x9d: {  	s9 =	smov.u32 @p1 s6;
	s6 =	simm.f32 $1.000000000e+00;
	s15 =	spop (v2sf)  }
0x9e: {  	s4 =	smov.u32 @p2 s13;
	s6 =	simm.s32 @!p2 $0x0;
	s10 =	spop (v2sf)  }
0x9f: {  	p0 =	sgt.f32 s9, $1.509999990e+00;
	s8 =	smov.u32 @p1 s19;
	s11 =	spop (v2sf)  }
0xa0: {  	s19 =	simm.f32 $3.333333430e-01;
	s29 =	ssub.f32 $1.000000000e+00, s6;
	s16 =	spop (v2sf)  }
0xa1: {  	v2 =	vmul.f32 s6, v0;
	s6 =	simm.s32 $0x1;
	s19 =	simm.s32 @!p1 $0x3DAAAAAB;
	s9 =	spop (v2sf)  }
0xa2: {  	s12 =	ssub.f32 s8, s12;
	s9 =	smov.u32 @p1 s16;
	s16 =	smov.u32 @p1 s11  }
0xa3: {  	s6 =	simm.s32 @!p2 $0x0;
	s9 =	smov.u32 @p0 s16;
	s16 =	simm.s32 $0x3  }
0xa4: {  	s17 =	simm.s32 @!p0 $0x3DAAAAAB;
	s31 =	sadd.s32 s6, s30;
	s16 =	simm.s32 @!p1 $0xC  }
0xa5: {  	v3 =	vmul.f32 s29, v1;
	s6 =	simm.s32 $0x3;
	s8 =	ssub.f32 s9, s8;
	s16 =	simm.s32 @!p2 $0x0  }
0xa6: {  	s12 =	smul.f32 s12, s19;
	s14 =	sadd.s32 s13, s16;
	s13 =	smov.u32 s15  }
0xa7: {  	s10 =	smov.u32 @p1 s15;
	v2 =	vadd.f32 v3, v2;
	s8 =	smul.f32 s8, s17;
	s13 =	smov.u32 @p1 s21  }
0xa8: {  	s6 =	simm.s32 @!p0 $0xC;
	s10 =	smov.u32 @p0 s13;
	p0 =	slt.u32 s7, $0x150  }
.Ltmp0:
0xa9: {  	v3 =	vmul.f32 s12, v1;
	v2 =	vmul.f32 s8, v2;
	(pc) =	sbr.rel @p0 .LBB2_1-.Ltmp0, $4  }
0xaa: {  	_ = 	snop  }
0xab: {  	p1 =	slt.s32 s14, $0x800;
	s8 =	simm.s32 $0x1;
	v2 =	vadd.f32 v2, v3  }
0xac: {  	s6 =	simm.s32 @!p1 $0x0;
	s8 =	simm.s32 @!p1 $0x0  }
0xad: {  	s4 =	smov.u32 @p1 s14;
	s6 =	sadd.s32 s14, s6;
	s8 =	sadd.s32 s8, s31;
	[tilespmem:s30+$0x1100] =	vst v2  }
0xae: {  	v0 =	vld [tilespmem:s6+$0x3]  }
0xaf: {  	v1 =	vld [tilespmem:s6+$0xC]  }
0xb0: {  	v2 =	vld [tilespmem:s6+$0x883]  }
0xb1: {  	v3 =	vld [tilespmem:s6+$0x88C]  }
0xb2: {  	v4 =	vld [tilespmem:s6+$0x6]  }
0xb3: {  	v44 =	vld [tilespmem:s6+$0xF];
	(v2sf) =	vpush v0, $0x0  }
0xb4: {  	v45 =	vld [tilespmem:s6+$0x18];
	(v2sf) =	vpush v1, $0x0  }
0xb5: {  	v46 =	vld [tilespmem:s6+$0x886];
	(v2sf) =	vpush v2, $0x0  }
0xb6: {  	v47 =	vld [tilespmem:s6+$0x88F];
	(v2sf) =	vpush v3, $0x0  }
0xb7: {  	v48 =	vld [tilespmem:s6+$0x898];
	(v2sf) =	vpush v4, $0x0  }
0xb8: {  	(v2sf) =	vpush v44, $0x0  }
0xb9: {  	(v2sf) =	vpush v45, $0x0  }
0xba: {  	(v2sf) =	vpush v46, $0x0  }
0xbb: {  	(v2sf) =	vpush v47, $0x0  }
0xbc: {  	(v2sf) =	vpush v48, $0x0;
	_ =	sdelay $0x5  }
0xbd: {  	s14 =	spop (v2sf)  }
0xbe: {  	s15 =	spop (v2sf)  }
0xbf: {  	s16 =	spop (v2sf)  }
0xc0: {  	s17 =	spop (v2sf)  }
0xc1: {  	s12 =	spop (v2sf)  }
0xc2: {  	p0 =	slt.s32 s6, $0x800;
	s13 =	spop (v2sf)  }
0xc3: {  	s19 =	simm.f32 $1.000000000e+00;
	p2 =	sgt.f32 s10, $1.509999990e+00;
	s11 =	spop (v2sf)  }
0xc4: {  	s19 =	simm.s32 @!p0 $0x0;
	s18 =	spop (v2sf)  }
0xc5: {  	s28 =	ssub.f32 $1.000000000e+00, s19;
	s15 =	smov.u32 @p2 s14;
	s10 =	spop (v2sf)  }
0xc6: {  	p3 =	sgt.f32 s15, $1.509999990e+00;
	s7 =	spop (v2sf)  }
0xc7: {  	v49 =	vimm.f32 $0.0e+00;
	s17 =	smov.u32 @p2 s16;
	s7 =	smov.u32 @p2 s10;
	s10 =	smov.u32 @p2 s18  }
0xc8: {  	v50 =	vsel vm0, $0x3F800000, v49;
	v51 =	vsel vm1, $0x3F800000, v49;
	s15 =	simm.f32 $3.333333430e-01;
	s9 =	ssub.f32 s17, s9;
	s7 =	smov.u32 @p3 s10  }
0xc9: {  	v52 =	vmul.f32 s19, v50;
	v53 =	vmul.f32 s28, v51;
	s15 =	simm.s32 @!p2 $0x3DAAAAAB;
	s10 =	simm.f32 $3.333333430e-01;
	s16 =	ssub.f32 s7, s17  }
0xca: {  	s9 =	smul.f32 s9, s15;
	s10 =	simm.s32 @!p3 $0x3DAAAAAB  }
0xcb: {  	v3 =	vadd.f32 v53, v52;
	s14 =	simm.s32 $0x3;
	s10 =	smul.f32 s16, s10  }
0xcc: {  	s14 =	simm.s32 @!p2 $0xC  }
0xcd: {  	s14 =	simm.s32 @!p0 $0x0;
	v54 =	vmul.f32 s9, v51;
	v3 =	vmul.f32 s10, v3  }
0xce: {  	s9 =	simm.s32 $0x3;
	s10 =	sadd.s32 s6, s14  }
0xcf: {  	s9 =	simm.s32 @!p3 $0xC;
	p1 =	slt.s32 s10, $0x800;
	v3 =	vadd.f32 v3, v54  }
0xd0: {  	s9 =	simm.s32 @!p1 $0x0  }
0xd1: {  	s9 =	sadd.s32 s10, s9;
	[tilespmem:s8+$0x1100] =	vst v3  }
0xd2: {  	v3 =	vld [tilespmem:s9+$0x3]  }
0xd3: {  	v55 =	vld [tilespmem:s9+$0xC]  }
0xd4: {  	v5 =	vld [tilespmem:s9+$0x883]  }
0xd5: {  	v6 =	vld [tilespmem:s9+$0x88C]  }
0xd6: {  	v7 =	vld [tilespmem:s9+$0x886]  }
0xd7: {  	v56 =	vld [tilespmem:s9+$0x88F];
	(v2sf) =	vpush v3, $0x0  }
0xd8: {  	v57 =	vld [tilespmem:s9+$0x898];
	(v2sf) =	vpush v55, $0x0  }
0xd9: {  	(v2sf) =	vpush v5, $0x0  }
0xda: {  	(v2sf) =	vpush v6, $0x0  }
0xdb: {  	(v2sf) =	vpush v7, $0x0  }
0xdc: {  	(v2sf) =	vpush v56, $0x0  }
0xdd: {  	(v2sf) =	vpush v57, $0x0;
	_ =	sdelay $0x8  }
0xde: {  	s19 =	smov.u32 s13;
	s14 =	spop (v2sf)  }
0xdf: {  	s19 =	smov.u32 @p2 s12;
	s11 =	smov.u32 @p2 s13;
	s15 =	spop (v2sf)  }
0xe0: {  	s13 =	simm.f32 $1.000000000e+00;
	s11 =	smov.u32 @p3 s19;
	s16 =	spop (v2sf)  }
0xe1: {  	p3 =	sgt.f32 s11, $1.509999990e+00;
	p2 =	slt.s32 s9, $0x800;
	s17 =	spop (v2sf)  }
0xe2: {  	s13 =	simm.s32 @!p2 $0x0;
	s18 =	spop (v2sf)  }
0xe3: {  	s29 =	ssub.f32 $1.000000000e+00, s13;
	s15 =	smov.u32 @p3 s14;
	s12 =	spop (v2sf)  }
0xe4: {  	p4 =	sgt.f32 s15, $1.509999990e+00;
	s11 =	spop (v2sf);
	s14 =	smov.u32 s12  }
0xe5: {  	s17 =	smov.u32 @p3 s16;
	s14 =	smov.u32 @p3 s18;
	s11 =	smov.u32 @p3 s12  }
0xe6: {  	s15 =	simm.f32 $3.333333430e-01;
	s7 =	ssub.f32 s17, s7;
	s11 =	smov.u32 @p4 s14  }
0xe7: {  	v58 =	vmul.f32 s13, v50;
	v59 =	vmul.f32 s29, v51;
	s15 =	simm.s32 @!p3 $0x3DAAAAAB;
	s14 =	simm.f32 $3.333333430e-01;
	s11 =	ssub.f32 s11, s17  }
0xe8: {  	s7 =	smul.f32 s7, s15;
	s14 =	simm.s32 @!p4 $0x3DAAAAAB  }
0xe9: {  	s13 =	simm.s32 $0x3;
	v3 =	vadd.f32 v59, v58;
	s11 =	smul.f32 s11, s14  }
0xea: {  	s4 =	smov.u32 @p0 s6;
	s6 =	simm.s32 $0x1;
	s13 =	simm.s32 @!p3 $0xC  }
0xeb: {  	s4 =	smov.u32 @p1 s10;
	s13 =	simm.s32 @!p2 $0x0;
	s12 =	simm.s32 $0x1;
	v60 =	vmul.f32 s7, v51;
	v3 =	vmul.f32 s11, v3  }
0xec: {  	s10 =	sadd.s32 s9, s13;
	s12 =	simm.s32 @!p0 $0x0;
	s7 =	simm.s32 $0x1  }
0xed: {  	s30 =	sadd.s32 s12, s8;
	s7 =	simm.s32 @!p1 $0x0;
	s11 =	simm.s32 $0x1;
	v3 =	vadd.f32 v3, v60  }
0xee: {  	p0 =	slt.s32 s10, $0x800;
	s7 =	sadd.s32 s7, s30;
	s11 =	simm.s32 @!p2 $0x0  }
0xef: {  	s4 =	smov.u32 @p2 s9;
	s6 =	simm.s32 @!p0 $0x0;
	s8 =	sadd.s32 s11, s7;
	[tilespmem:s7+$0x1100] =	vst v3  }
0xf0: {  	s4 =	smov.u32 @p0 s10;
	s6 =	sadd.s32 s6, s8;
	v3 =	vld.msk [tilespmem:$0x1080 ss:$0x0], $0xffff  }
0xf1: {  	s31 =	scvt.s32.f32 s4;
	s6 =	scvt.s32.f32 s6  }
0xf2: {  	v61 =	vld.msk [tilespmem:s4+$0x880 ss:$0x0], $0xffff  }
0xf3: {  	vm14 =	vcmask $0xB08;
	v1 =	vmul.f32 s31, v50;
	v2 =	vmul.f32 s6, v51  }
0xf4: {  	v62 =	vsel vm14, $0x3F800000, v49  }
0xf5: {  	vm15 =	vcmask $0xF0C;
	v1 =	vadd.f32 v2, v1;
	v63 =	vmul.f32 v62, v3  }
0xf6: {  	v0 =	vsel vm15, $0x3F800000, v49  }
0xf7: {  	v0 =	vmul.f32 v0, v61;
	v1 =	vadd.f32 v63, v1;
	_ =	sdelay $0x1  }
0xf8: {  	p0 =	sgt.u32 s1, $0x7;
	v0 =	vadd.f32 v0, v1  }
0xf9: {  	s7 =	simm.s32 @!p0 $0x1100  }
0xfa: {  	s4 =	sadd.s32 @!p0 s5, s3;
	s5 =	simm.s32 @!p0 $0x80;
	s6 =	simm.s32 @!p0 $0x400;
	[tilespmem:$0x1400] =	vst v0  }
0xfb: {  	[hbm4b:s4+s5] =	stream.strided.scatter @!p0 [tilespmem:s7], [sflag:$0x3], $0x300, s6, s5, $0x38;
	[tilespmem:$0x1480] =	vst v63  }
0xfc: {  	s4 =	simm.s32 @!p0 $0x3  }
0xfd: {  	_ =	swait.ge @!p0 [sflag:s4], $0x300  }
0xfe: {  	s2 =	sadd.s32 @!p0 s2, s3;
	[sflag:s4] =	ssyncset.done @!p0 $0x0  }
0xff: {  	s3 =	simm.s32 @!p0 $0x0;
	s5 =	simm.s32 @!p0 $0x1400;
	[sflag:s4] =	ssyncadd.s32 @!p0 $0xFFFFFD00  }
0x100: {  	[hbm4b:s2+s3] =	stream.linear.scatter @!p0 [tilespmem:s5], [sflag:$0x3], $0x80, $0x38;
	[tilespmem:$0x1480] =	vst v63  }
0x101: {  	_ =	swait.ge @!p0 [sflag:s4], $0x80  }
0x102: {  	[sflag:s4] =	ssyncset.done @!p0 $0x0  }
0x103: {  	[sflag:s4] =	ssyncadd.s32 @!p0 $0xFFFFFF80  }
0x104: {  	_ =	sfence.sel $0x180000  }
0x105: {  	[bflag:$0x0] =	sbarrier.arrive $0xFFFF  }
0x106: {  	p0 =	sne.s32 s1, $0x0;
	_ =	strace $0x90000047  }
0x107: {  	s0 =	sadd.s32 @!p0 $0x100000, s0;
	[bflag:$0x2] =	sbarrier.arrive $0xFFFF  }
0x108: {  	[sflag:s0] =	ssyncadd.tile.s32 @!p0 $0x1;
	_ =	shalt  }
.Lfunc_end2:
_tile_overlayer_lowered:
.L_overlay_start_2:
0x109: {  	(tag) =	ssettag $0x2  }
0x10a: {  	s0 =	rddreg [dreg:$0x0];
	s2 =	stileid.u32  }
0x10b: {  	s1 =	rddreg [dreg:$0x1];
	p0 =	sne.s32 s2, $0x0  }
0x10c: {  	s3 =	rddreg [dreg:$0x2];
	[bflag:$0x3] =	sbarrier.arrive $0xFFFF;
	s2 =	simm.s32 @!p0 $0x1C03  }
0x10d: {  	[timem:s3], [sflag:s2] =	dma.local @!p0 [hbm:s0], s1  }
0x10e: {  	s0 =	simm.s32 @!p0 $0x3  }
0x10f: {  	_ =	swait.ge @!p0 [sflag:s0], s1  }
0x110: {  	s1 =	ssub.s32 @!p0 $0x0, s1;
	[sflag:s0] =	ssyncset.done @!p0 $0x0  }
0x111: {  	[sflag:s0] =	ssyncadd.s32 @!p0 s1  }
0x112: {  	[bflag:$0x3] =	sbarrier.arrive $0xFFFF  }
0x113: {  	_ =	shalt  }

</sc_bundles>
